<compile_context>
chip_gen: v7x
topology: tpu7x:2x2x1
jax: 0.10.2.dev20260603
libtpu: 0.0.44.dev20260713+nightly
codegen_flags: <defaults>
</compile_context>

<pallas_src>
import functools

import jax
import jax.numpy as jnp
from jax import lax
from jax.experimental import pallas as pl
from jax.experimental.pallas import tpu as pltpu
from jax.experimental.pallas import tpu_sc as plsc

B, L, T, D = 8, 6, 512, 1024
LAST_LAYER = 6
MAX_ITERS = 6
N_ROWS = LAST_LAYER * MAX_ITERS
N_MEM = N_ROWS + 1
MSK_PAD = 48
LANES = 16
WPB = 4
ROWS_PER_W = N_ROWS // WPB


def _sc_rolling(lm2d, valid2d, layer_embedding, non2d):
    mesh = plsc.VectorSubcoreMesh(core_axis_name="c", subcore_axis_name="s")

    @functools.partial(
        pl.kernel,
        out_type=[
            jax.ShapeDtypeStruct((N_MEM, B, D), jnp.float32),
            jax.ShapeDtypeStruct((B, MSK_PAD), jnp.int32),
        ],
        mesh=mesh,
        compiler_params=pltpu.CompilerParams(needs_layout_passes=False),
        scratch_types=[
            pltpu.VMEM((1, T), jnp.int32),
            pltpu.VMEM((L, D), jnp.float32),
            pltpu.VMEM((8, D), jnp.float32),
            pltpu.VMEM((1, D), jnp.float32),
            pltpu.VMEM((LANES,), jnp.int32),
            pltpu.VMEM((1, D), jnp.float32),
            pltpu.VMEM((1, MSK_PAD), jnp.int32),
            pltpu.SemaphoreType.DMA,
            pltpu.SemaphoreType.DMA,
            pltpu.SemaphoreType.DMA,
            pltpu.SemaphoreType.DMA,
            pltpu.SemaphoreType.DMA,
        ],
    )
    def k(lm_hbm, valid_hbm, layer_hbm, non_hbm, mem_hbm, msk_hbm,
          valid_v, layer_v, rows8_v, rows1_v, gidx_v, non_v, msk_v,
          sem_l, sem_v, sem_g, sem_h, sem_s):
        wid = lax.axis_index("s") * mesh.num_cores + lax.axis_index("c")
        b = wid // WPB
        j = wid % WPB

        layer_cp = pltpu.async_copy(layer_hbm, layer_v, sem_l)
        valid_cp = pltpu.async_copy(valid_hbm.at[pl.ds(b, 1)], valid_v, sem_v)

        lane = lax.iota(jnp.int32, LANES)
        valid_cp.wait()

        def chunk_min(i, cur):
            c = valid_v[0, pl.ds(i * LANES, LANES)]
            return jnp.minimum(cur, jnp.where(c != 0, lane + i * LANES, T))

        minv = lax.fori_loop(0, T // LANES, chunk_min,
                             jnp.full((LANES,), T, jnp.int32), unroll=8)
        first = jnp.min(minv)
        first = jnp.where(first >= T, 0, first)

        r = j * ROWS_PER_W + jnp.minimum(lane, ROWS_PER_W - 1)
        l = r % LAST_LAYER
        t = jnp.minimum(first + r // LAST_LAYER, T - 1)
        gidx_v[...] = (b * L + l) * T + t
        g8_cp = pltpu.async_copy(lm_hbm.at[gidx_v.at[pl.ds(0, 8)]],
                                 rows8_v, sem_g)
        g1_cp = pltpu.async_copy(lm_hbm.at[gidx_v.at[pl.ds(8, 1)]],
                                 rows1_v, sem_h)

        @pl.when(j == 0)
        def _():
            pltpu.sync_copy(non_hbm, non_v)
            pltpu.sync_copy(non_v, mem_hbm.at[N_MEM - 1, pl.ds(b, 1)])
            for i in range(MSK_PAD // LANES):
                p = lane + i * LANES
                pt = jnp.minimum(first + p // LAST_LAYER, T - 1)
                v = plsc.load_gather(valid_v, [jnp.zeros((LANES,), jnp.int32),
                                               pt])
                msk_v[0, pl.ds(i * LANES, LANES)] = jnp.where(
                    (v == 0) & (p < N_ROWS), 1, 0)
            pltpu.sync_copy(msk_v, msk_hbm.at[pl.ds(b, 1)])

        layer_cp.wait()
        g8_cp.wait()

        CH = D // LANES

        def add8(i, _):
            kk = i // CH
            sl = pl.ds((i % CH) * LANES, LANES)
            lk = (j * ROWS_PER_W + kk) % LAST_LAYER
            rows8_v[kk, sl] = rows8_v[kk, sl] + layer_v[lk, sl]
            return 0

        lax.fori_loop(0, 8 * CH, add8, 0, unroll=8)

        stores = []
        for kk in range(8):
            rk = j * ROWS_PER_W + kk
            stores.append(pltpu.async_copy(
                rows8_v.at[pl.ds(kk, 1)], mem_hbm.at[rk, pl.ds(b, 1)], sem_s))

        g1_cp.wait()
        l8 = (j * ROWS_PER_W + 8) % LAST_LAYER

        def add1(i, _):
            sl = pl.ds(i * LANES, LANES)
            rows1_v[0, sl] = rows1_v[0, sl] + layer_v[l8, sl]
            return 0

        lax.fori_loop(0, CH, add1, 0, unroll=4)
        stores.append(pltpu.async_copy(
            rows1_v, mem_hbm.at[j * ROWS_PER_W + 8, pl.ds(b, 1)], sem_s))
        for cp in stores:
            cp.wait()

    return k(lm2d, valid2d, layer_embedding, non2d)


def kernel(lm_emb, lm_emb_valid, layer_embedding, nonsense_embedding):
    mem_t, msk_i32 = _sc_rolling(
        lm_emb.reshape(B * L * T, D),
        lm_emb_valid.astype(jnp.int32),
        layer_embedding,
        nonsense_embedding)
    mem = jnp.transpose(mem_t, (1, 0, 2))
    msk = msk_i32[:, :N_MEM] != 0
    return mem, msk

# --- scband reference (transcript-rebuilt; emitter-appended) ---
"""Pipeline reference for scband-rolling-adaptor-70480413327833 (READ-ONLY COPY).

The authoritative reference and input builder live on the scoring server;
editing this copy changes nothing except your own understanding.
"""

import jax, jax.numpy as jnp
import numpy as np

B, L, T, D = 8, 6, 512, 1024
LAST_LAYER = 6
MAX_ITERS = 6


def setup_inputs(seed: int = 0) -> dict:
    key = jax.random.key(seed)
    k1, k2, k3 = jax.random.split(key, 3)
    lm_emb = jax.random.normal(k1, (B, L, T, D), dtype=jnp.float32)
    lm_emb_valid = jnp.ones((B, T), dtype=jnp.int32)
    layer_embedding = jax.random.normal(k2, (L, D), dtype=jnp.float32)
    nonsense_embedding = jax.random.normal(k3, (1, D), dtype=jnp.float32)
    return {"lm_emb": lm_emb, "lm_emb_valid": lm_emb_valid,
            "layer_embedding": layer_embedding,
            "nonsense_embedding": nonsense_embedding}


def reference(lm_emb, lm_emb_valid, layer_embedding, nonsense_embedding):
    is_valid = lm_emb_valid
    first = jnp.argmax(is_valid.astype(jnp.int32), axis=1)
    # add layer embedding: [B, L, T, D] + [1, L, 1, D]
    lm = lm_emb + layer_embedding[None, :, None, :]
    valid_iters = int(min(MAX_ITERS, is_valid.shape[1]))
    mem_list, msk_list = [], []
    for offset in range(valid_iters):
        mem = jnp.stack([lm[i, -LAST_LAYER:, first[i] + offset]
                         for i in range(lm.shape[0])], axis=0)
        msk = jnp.stack([jnp.broadcast_to(
            ~(is_valid[i, first[i] + offset].astype(bool)),
            (mem.shape[1],)) for i in range(mem.shape[0])], axis=0)
        mem_list.append(mem)
        msk_list.append(msk)
    mem = jnp.concatenate(mem_list, axis=1)
    msk = jnp.concatenate(msk_list, axis=1)
    mem = jnp.concatenate(
        [mem, jnp.tile(nonsense_embedding, (mem.shape[0], 1, 1))], axis=1)
    msk = jnp.concatenate(
        [msk, jnp.zeros((msk.shape[0], 1), dtype=bool)], axis=1)
    # rollers list is empty in this config; return the assembled rolling
    # memory and its padding mask (the tensors that would feed the rollers)
    return (mem, msk)

if __name__ == "__main__":
    import jax
    _d = setup_inputs()
    print(jax.jit(kernel)(*tuple(_d.values())))

</pallas_src>

<mosaic_0001>
#map = affine_map<(d0, d1) -> (0, 0)>
#map1 = affine_map<(d0, d1) -> (0, 0, 0)>
module attributes {stable_mosaic.version = 14 : i64} {
  func.func @k(%arg0: i32, %arg1: i32, %arg2: memref<24576x1024xf32, #tpu.memory_space<hbm>>, %arg3: memref<8x512xi32, #tpu.memory_space<hbm>>, %arg4: memref<6x1024xf32, #tpu.memory_space<hbm>>, %arg5: memref<1x1024xf32, #tpu.memory_space<hbm>>, %arg6: memref<37x8x1024xf32, #tpu.memory_space<hbm>>, %arg7: memref<8x48xi32, #tpu.memory_space<hbm>>, %arg8: memref<1x512xi32, #tpu.memory_space<vmem>>, %arg9: memref<6x1024xf32, #tpu.memory_space<vmem>>, %arg10: memref<8x1024xf32, #tpu.memory_space<vmem>>, %arg11: memref<1x1024xf32, #tpu.memory_space<vmem>>, %arg12: memref<16xi32, #tpu.memory_space<vmem>>, %arg13: memref<1x1024xf32, #tpu.memory_space<vmem>>, %arg14: memref<1x48xi32, #tpu.memory_space<vmem>>, %arg15: memref<!tpu.dma_semaphore, #tpu.memory_space<semaphore_mem>>, %arg16: memref<!tpu.dma_semaphore, #tpu.memory_space<semaphore_mem>>, %arg17: memref<!tpu.dma_semaphore, #tpu.memory_space<semaphore_mem>>, %arg18: memref<!tpu.dma_semaphore, #tpu.memory_space<semaphore_mem>>, %arg19: memref<!tpu.dma_semaphore, #tpu.memory_space<semaphore_mem>>) attributes {dimension_semantics = [#tpu.dimension_semantics<core_parallel>, #tpu.dimension_semantics<subcore_parallel>], iteration_bounds = array<i64: 2, 16>, scalar_prefetch = 0 : i64, scratch_operands = 12 : i64, tpu.core_type = #tpu.core_type<sc_vector_subcore>, window_params = [{transform_indices = #map}, {transform_indices = #map}, {transform_indices = #map}, {transform_indices = #map}, {transform_indices = #map1}, {transform_indices = #map}]} {
    %mul3A = arith.constant 2 : i32
    %mul3A_0 = arith.muli %arg1, %mul3A : i32
    %add3A = arith.addi %mul3A_0, %arg0 : i32
    %jit3A = arith.constant 4 : i32
    %div3A = arith.divsi %add3A, %jit3A : i32
    %sign3A = arith.constant 0 : i32
    %sign3A_1 = arith.cmpi sgt, %add3A, %sign3A : i32
    %sign3A_2 = arith.extui %sign3A_1 : i1 to i32
    %sign3A_3 = arith.constant 0 : i32
    %sign3A_4 = arith.cmpi slt, %add3A, %sign3A_3 : i32
    %sign3A_5 = arith.extui %sign3A_4 : i1 to i32
    %sign3A_6 = arith.subi %sign3A_2, %sign3A_5 : i32
    %sign3A_7 = arith.constant 0 : i32
    %sign3A_8 = arith.cmpi sgt, %jit3A, %sign3A_7 : i32
    %sign3A_9 = arith.extui %sign3A_8 : i1 to i32
    %sign3A_10 = arith.constant 0 : i32
    %sign3A_11 = arith.cmpi slt, %jit3A, %sign3A_10 : i32
    %sign3A_12 = arith.extui %sign3A_11 : i1 to i32
    %sign3A_13 = arith.subi %sign3A_9, %sign3A_12 : i32
    %ne3A = arith.cmpi ne, %sign3A_6, %sign3A_13 : i32
    %rem3A = arith.remsi %add3A, %jit3A : i32
    %ne3A_14 = arith.constant 0 : i32
    %ne3A_15 = arith.cmpi ne, %rem3A, %ne3A_14 : i32
    %and3A = arith.andi %ne3A, %ne3A_15 : i1
    %sub3A = arith.constant 1 : i32
    %sub3A_16 = arith.subi %div3A, %sub3A : i32
    %select_n3A = arith.select %and3A, %sub3A_16, %div3A : i32
    %jit3A_17 = arith.constant 4 : i32
    %eq3A = arith.constant 0 : i32
    %eq3A_18 = arith.cmpi eq, %jit3A_17, %eq3A : i32
    %jit3A_19 = arith.constant 1 : i32
    %select_n3A_20 = arith.select %eq3A_18, %jit3A_19, %jit3A_17 : i32
    %rem3A_21 = arith.remsi %add3A, %select_n3A_20 : i32
    %ne3A_22 = arith.constant 0 : i32
    %ne3A_23 = arith.cmpi ne, %rem3A_21, %ne3A_22 : i32
    %lt3A = arith.constant 0 : i32
    %lt3A_24 = arith.cmpi slt, %rem3A_21, %lt3A : i32
    %lt3A_25 = arith.constant 0 : i32
    %lt3A_26 = arith.cmpi slt, %select_n3A_20, %lt3A_25 : i32
    %ne3A_27 = arith.xori %lt3A_24, %lt3A_26 : i1
    %and3A_28 = arith.andi %ne3A_27, %ne3A_23 : i1
    %add3A_29 = arith.addi %rem3A_21, %select_n3A_20 : i32
    %select_n3A_30 = arith.select %and3A_28, %add3A_29, %rem3A_21 : i32
    tpu.enqueue_dma source(%arg4 : memref<6x1024xf32, #tpu.memory_space<hbm>>) target(%arg9 : memref<6x1024xf32, #tpu.memory_space<vmem>>) target_semaphore(%arg15 : memref<!tpu.dma_semaphore, #tpu.memory_space<semaphore_mem>>)
    %dma_start3A = arith.constant 0 : i32
    %dma_start3A_31 = tpu.memref_slice %arg3[%select_n3A, %dma_start3A] : memref<8x512xi32, #tpu.memory_space<hbm>> -> memref<1x512xi32, #tpu.memory_space<hbm>>
    %dma_start3A_32 = arith.constant 0 : i32
    %dma_start3A_33 = tpu.memref_slice %arg3[%select_n3A, %dma_start3A_32] : memref<8x512xi32, #tpu.memory_space<hbm>> -> memref<1x512xi32, #tpu.memory_space<hbm>>
    tpu.enqueue_dma source(%dma_start3A_33 : memref<1x512xi32, #tpu.memory_space<hbm>>) target(%arg8 : memref<1x512xi32, #tpu.memory_space<vmem>>) target_semaphore(%arg16 : memref<!tpu.dma_semaphore, #tpu.memory_space<semaphore_mem>>)
    %iota3A = tpu.iota {dimensions = array<i32: 0>} : vector<16xi32>
    %dma_wait3A = arith.constant 0 : i32
    %dma_wait3A_34 = tpu.memref_slice %arg3[%select_n3A, %dma_wait3A] : memref<8x512xi32, #tpu.memory_space<hbm>> -> memref<1x512xi32, #tpu.memory_space<hbm>>
    %dma_wait3A_35 = arith.constant 0 : i32
    %dma_wait3A_36 = tpu.memref_slice %arg3[%select_n3A, %dma_wait3A_35] : memref<8x512xi32, #tpu.memory_space<hbm>> -> memref<1x512xi32, #tpu.memory_space<hbm>>
    tpu.wait_dma2 semaphore(%arg16 : memref<!tpu.dma_semaphore, #tpu.memory_space<semaphore_mem>>) src(%dma_wait3A_36 : memref<1x512xi32, #tpu.memory_space<hbm>>) dst(%arg8 : memref<1x512xi32, #tpu.memory_space<vmem>>)
    %broadcast_in_dim3A = arith.constant 512 : i32
    %broadcast_in_dim3A_37 = vector.broadcast %broadcast_in_dim3A : i32 to vector<16xi32>
    %scan3A = arith.constant 0 : i32
    %scan3A_38 = arith.constant 32 : i32
    %scan3A_39 = arith.addi %scan3A, %scan3A_38 : i32
    %scan3A_40 = arith.constant 8 : i32
    %scan3A_41 = scf.for %scan3A_423 = %scan3A to %scan3A_39 step %scan3A_40 iter_args(%scan3A_424 = %broadcast_in_dim3A_37) -> (vector<16xi32>)  : i32 {
      %mul3A_425 = arith.constant 16 : i32
      %mul3A_426 = arith.muli %scan3A_423, %mul3A_425 : i32
      %get3A = arith.constant 0 : i32
      %get3A_427 = arith.index_cast %get3A : i32 to index
      %get3A_428 = arith.index_cast %mul3A_426 : i32 to index
      %get3A_429 = tpu.vector_load %arg8[%get3A_427, %get3A_428] {strides = array<i32>} : memref<1x512xi32, #tpu.memory_space<vmem>>, vector<16xi32>,
      %ne3A_430 = arith.constant 0 : i32
      %ne3A_431 = vector.broadcast %ne3A_430 : i32 to vector<16xi32>
      %ne3A_432 = arith.cmpi ne, %get3A_429, %ne3A_431 : vector<16xi32>
      %mul3A_433 = arith.constant 16 : i32
      %mul3A_434 = arith.muli %scan3A_423, %mul3A_433 : i32
      %add3A_435 = vector.broadcast %mul3A_434 : i32 to vector<16xi32>
      %add3A_436 = arith.addi %iota3A, %add3A_435 : vector<16xi32>
      %jit3A_437 = arith.constant 512 : i32
      %broadcast_in_dim3A_438 = vector.broadcast %jit3A_437 : i32 to vector<16xi32>
      %select_n3A_439 = arith.select %ne3A_432, %add3A_436, %broadcast_in_dim3A_438 : vector<16xi1>, vector<16xi32>
      %min3A_440 = arith.minsi %scan3A_424, %select_n3A_439 : vector<16xi32>
      %scan3A_441 = arith.constant 1 : i32
      %scan3A_442 = arith.addi %scan3A_423, %scan3A_441 : i32
      %mul3A_443 = arith.constant 16 : i32
      %mul3A_444 = arith.muli %scan3A_442, %mul3A_443 : i32
      %get3A_445 = arith.constant 0 : i32
      %get3A_446 = arith.index_cast %get3A_445 : i32 to index
      %get3A_447 = arith.index_cast %mul3A_444 : i32 to index
      %get3A_448 = tpu.vector_load %arg8[%get3A_446, %get3A_447] {strides = array<i32>} : memref<1x512xi32, #tpu.memory_space<vmem>>, vector<16xi32>,
      %ne3A_449 = arith.constant 0 : i32
      %ne3A_450 = vector.broadcast %ne3A_449 : i32 to vector<16xi32>
      %ne3A_451 = arith.cmpi ne, %get3A_448, %ne3A_450 : vector<16xi32>
      %mul3A_452 = arith.constant 16 : i32
      %mul3A_453 = arith.muli %scan3A_442, %mul3A_452 : i32
      %add3A_454 = vector.broadcast %mul3A_453 : i32 to vector<16xi32>
      %add3A_455 = arith.addi %iota3A, %add3A_454 : vector<16xi32>
      %jit3A_456 = arith.constant 512 : i32
      %broadcast_in_dim3A_457 = vector.broadcast %jit3A_456 : i32 to vector<16xi32>
      %select_n3A_458 = arith.select %ne3A_451, %add3A_455, %broadcast_in_dim3A_457 : vector<16xi1>, vector<16xi32>
      %min3A_459 = arith.minsi %min3A_440, %select_n3A_458 : vector<16xi32>
      %scan3A_460 = arith.constant 2 : i32
      %scan3A_461 = arith.addi %scan3A_423, %scan3A_460 : i32
      %mul3A_462 = arith.constant 16 : i32
      %mul3A_463 = arith.muli %scan3A_461, %mul3A_462 : i32
      %get3A_464 = arith.constant 0 : i32
      %get3A_465 = arith.index_cast %get3A_464 : i32 to index
      %get3A_466 = arith.index_cast %mul3A_463 : i32 to index
      %get3A_467 = tpu.vector_load %arg8[%get3A_465, %get3A_466] {strides = array<i32>} : memref<1x512xi32, #tpu.memory_space<vmem>>, vector<16xi32>,
      %ne3A_468 = arith.constant 0 : i32
      %ne3A_469 = vector.broadcast %ne3A_468 : i32 to vector<16xi32>
      %ne3A_470 = arith.cmpi ne, %get3A_467, %ne3A_469 : vector<16xi32>
      %mul3A_471 = arith.constant 16 : i32
      %mul3A_472 = arith.muli %scan3A_461, %mul3A_471 : i32
      %add3A_473 = vector.broadcast %mul3A_472 : i32 to vector<16xi32>
      %add3A_474 = arith.addi %iota3A, %add3A_473 : vector<16xi32>
      %jit3A_475 = arith.constant 512 : i32
      %broadcast_in_dim3A_476 = vector.broadcast %jit3A_475 : i32 to vector<16xi32>
      %select_n3A_477 = arith.select %ne3A_470, %add3A_474, %broadcast_in_dim3A_476 : vector<16xi1>, vector<16xi32>
      %min3A_478 = arith.minsi %min3A_459, %select_n3A_477 : vector<16xi32>
      %scan3A_479 = arith.constant 3 : i32
      %scan3A_480 = arith.addi %scan3A_423, %scan3A_479 : i32
      %mul3A_481 = arith.constant 16 : i32
      %mul3A_482 = arith.muli %scan3A_480, %mul3A_481 : i32
      %get3A_483 = arith.constant 0 : i32
      %get3A_484 = arith.index_cast %get3A_483 : i32 to index
      %get3A_485 = arith.index_cast %mul3A_482 : i32 to index
      %get3A_486 = tpu.vector_load %arg8[%get3A_484, %get3A_485] {strides = array<i32>} : memref<1x512xi32, #tpu.memory_space<vmem>>, vector<16xi32>,
      %ne3A_487 = arith.constant 0 : i32
      %ne3A_488 = vector.broadcast %ne3A_487 : i32 to vector<16xi32>
      %ne3A_489 = arith.cmpi ne, %get3A_486, %ne3A_488 : vector<16xi32>
      %mul3A_490 = arith.constant 16 : i32
      %mul3A_491 = arith.muli %scan3A_480, %mul3A_490 : i32
      %add3A_492 = vector.broadcast %mul3A_491 : i32 to vector<16xi32>
      %add3A_493 = arith.addi %iota3A, %add3A_492 : vector<16xi32>
      %jit3A_494 = arith.constant 512 : i32
      %broadcast_in_dim3A_495 = vector.broadcast %jit3A_494 : i32 to vector<16xi32>
      %select_n3A_496 = arith.select %ne3A_489, %add3A_493, %broadcast_in_dim3A_495 : vector<16xi1>, vector<16xi32>
      %min3A_497 = arith.minsi %min3A_478, %select_n3A_496 : vector<16xi32>
      %scan3A_498 = arith.constant 4 : i32
      %scan3A_499 = arith.addi %scan3A_423, %scan3A_498 : i32
      %mul3A_500 = arith.constant 16 : i32
      %mul3A_501 = arith.muli %scan3A_499, %mul3A_500 : i32
      %get3A_502 = arith.constant 0 : i32
      %get3A_503 = arith.index_cast %get3A_502 : i32 to index
      %get3A_504 = arith.index_cast %mul3A_501 : i32 to index
      %get3A_505 = tpu.vector_load %arg8[%get3A_503, %get3A_504] {strides = array<i32>} : memref<1x512xi32, #tpu.memory_space<vmem>>, vector<16xi32>,
      %ne3A_506 = arith.constant 0 : i32
      %ne3A_507 = vector.broadcast %ne3A_506 : i32 to vector<16xi32>
      %ne3A_508 = arith.cmpi ne, %get3A_505, %ne3A_507 : vector<16xi32>
      %mul3A_509 = arith.constant 16 : i32
      %mul3A_510 = arith.muli %scan3A_499, %mul3A_509 : i32
      %add3A_511 = vector.broadcast %mul3A_510 : i32 to vector<16xi32>
      %add3A_512 = arith.addi %iota3A, %add3A_511 : vector<16xi32>
      %jit3A_513 = arith.constant 512 : i32
      %broadcast_in_dim3A_514 = vector.broadcast %jit3A_513 : i32 to vector<16xi32>
      %select_n3A_515 = arith.select %ne3A_508, %add3A_512, %broadcast_in_dim3A_514 : vector<16xi1>, vector<16xi32>
      %min3A_516 = arith.minsi %min3A_497, %select_n3A_515 : vector<16xi32>
      %scan3A_517 = arith.constant 5 : i32
      %scan3A_518 = arith.addi %scan3A_423, %scan3A_517 : i32
      %mul3A_519 = arith.constant 16 : i32
      %mul3A_520 = arith.muli %scan3A_518, %mul3A_519 : i32
      %get3A_521 = arith.constant 0 : i32
      %get3A_522 = arith.index_cast %get3A_521 : i32 to index
      %get3A_523 = arith.index_cast %mul3A_520 : i32 to index
      %get3A_524 = tpu.vector_load %arg8[%get3A_522, %get3A_523] {strides = array<i32>} : memref<1x512xi32, #tpu.memory_space<vmem>>, vector<16xi32>,
      %ne3A_525 = arith.constant 0 : i32
      %ne3A_526 = vector.broadcast %ne3A_525 : i32 to vector<16xi32>
      %ne3A_527 = arith.cmpi ne, %get3A_524, %ne3A_526 : vector<16xi32>
      %mul3A_528 = arith.constant 16 : i32
      %mul3A_529 = arith.muli %scan3A_518, %mul3A_528 : i32
      %add3A_530 = vector.broadcast %mul3A_529 : i32 to vector<16xi32>
      %add3A_531 = arith.addi %iota3A, %add3A_530 : vector<16xi32>
      %jit3A_532 = arith.constant 512 : i32
      %broadcast_in_dim3A_533 = vector.broadcast %jit3A_532 : i32 to vector<16xi32>
      %select_n3A_534 = arith.select %ne3A_527, %add3A_531, %broadcast_in_dim3A_533 : vector<16xi1>, vector<16xi32>
      %min3A_535 = arith.minsi %min3A_516, %select_n3A_534 : vector<16xi32>
      %scan3A_536 = arith.constant 6 : i32
      %scan3A_537 = arith.addi %scan3A_423, %scan3A_536 : i32
      %mul3A_538 = arith.constant 16 : i32
      %mul3A_539 = arith.muli %scan3A_537, %mul3A_538 : i32
      %get3A_540 = arith.constant 0 : i32
      %get3A_541 = arith.index_cast %get3A_540 : i32 to index
      %get3A_542 = arith.index_cast %mul3A_539 : i32 to index
      %get3A_543 = tpu.vector_load %arg8[%get3A_541, %get3A_542] {strides = array<i32>} : memref<1x512xi32, #tpu.memory_space<vmem>>, vector<16xi32>,
      %ne3A_544 = arith.constant 0 : i32
      %ne3A_545 = vector.broadcast %ne3A_544 : i32 to vector<16xi32>
      %ne3A_546 = arith.cmpi ne, %get3A_543, %ne3A_545 : vector<16xi32>
      %mul3A_547 = arith.constant 16 : i32
      %mul3A_548 = arith.muli %scan3A_537, %mul3A_547 : i32
      %add3A_549 = vector.broadcast %mul3A_548 : i32 to vector<16xi32>
      %add3A_550 = arith.addi %iota3A, %add3A_549 : vector<16xi32>
      %jit3A_551 = arith.constant 512 : i32
      %broadcast_in_dim3A_552 = vector.broadcast %jit3A_551 : i32 to vector<16xi32>
      %select_n3A_553 = arith.select %ne3A_546, %add3A_550, %broadcast_in_dim3A_552 : vector<16xi1>, vector<16xi32>
      %min3A_554 = arith.minsi %min3A_535, %select_n3A_553 : vector<16xi32>
      %scan3A_555 = arith.constant 7 : i32
      %scan3A_556 = arith.addi %scan3A_423, %scan3A_555 : i32
      %mul3A_557 = arith.constant 16 : i32
      %mul3A_558 = arith.muli %scan3A_556, %mul3A_557 : i32
      %get3A_559 = arith.constant 0 : i32
      %get3A_560 = arith.index_cast %get3A_559 : i32 to index
      %get3A_561 = arith.index_cast %mul3A_558 : i32 to index
      %get3A_562 = tpu.vector_load %arg8[%get3A_560, %get3A_561] {strides = array<i32>} : memref<1x512xi32, #tpu.memory_space<vmem>>, vector<16xi32>,
      %ne3A_563 = arith.constant 0 : i32
      %ne3A_564 = vector.broadcast %ne3A_563 : i32 to vector<16xi32>
      %ne3A_565 = arith.cmpi ne, %get3A_562, %ne3A_564 : vector<16xi32>
      %mul3A_566 = arith.constant 16 : i32
      %mul3A_567 = arith.muli %scan3A_556, %mul3A_566 : i32
      %add3A_568 = vector.broadcast %mul3A_567 : i32 to vector<16xi32>
      %add3A_569 = arith.addi %iota3A, %add3A_568 : vector<16xi32>
      %jit3A_570 = arith.constant 512 : i32
      %broadcast_in_dim3A_571 = vector.broadcast %jit3A_570 : i32 to vector<16xi32>
      %select_n3A_572 = arith.select %ne3A_565, %add3A_569, %broadcast_in_dim3A_571 : vector<16xi1>, vector<16xi32>
      %min3A_573 = arith.minsi %min3A_554, %select_n3A_572 : vector<16xi32>
      scf.yield %min3A_573 : vector<16xi32>
    }
    %scan3A_42 = arith.constant 32 : i32
    %reduce_min3A = arith.constant true
    %reduce_min3A_43 = vector.broadcast %reduce_min3A : i1 to vector<16xi1>
    %reduce_min3A_44 = arith.constant -2147483648 : i32
    %reduce_min3A_45 = vector.broadcast %reduce_min3A_44 : i32 to vector<16xi32>
    %reduce_min3A_46 = arith.xori %scan3A_41, %reduce_min3A_45 : vector<16xi32>
    %reduce_min3A_47 = tpu.scan <min>, %reduce_min3A_46 masked %reduce_min3A_43 : vector<16xi32>, vector<16xi1> -> vector<16xi32>
    %reduce_min3A_48 = arith.xori %reduce_min3A_47, %reduce_min3A_45 : vector<16xi32>
    %reduce_min3A_49 = vector.extract %reduce_min3A_48[15] : i32 from vector<16xi32>
    %ge3A = arith.constant 512 : i32
    %ge3A_50 = arith.cmpi sge, %reduce_min3A_49, %ge3A : i32
    %jit3A_51 = arith.constant 0 : i32
    %select_n3A_52 = arith.select %ge3A_50, %jit3A_51, %reduce_min3A_49 : i32
    %mul3A_53 = arith.constant 9 : i32
    %mul3A_54 = arith.muli %select_n3A_30, %mul3A_53 : i32
    %min3A = arith.constant 8 : i32
    %min3A_55 = vector.broadcast %min3A : i32 to vector<16xi32>
    %min3A_56 = arith.minsi %iota3A, %min3A_55 : vector<16xi32>
    %add3A_57 = vector.broadcast %mul3A_54 : i32 to vector<16xi32>
    %add3A_58 = arith.addi %add3A_57, %min3A_56 : vector<16xi32>
    %jit3A_59 = arith.constant 6 : i32
    %eq3A_60 = arith.constant 0 : i32
    %eq3A_61 = arith.cmpi eq, %jit3A_59, %eq3A_60 : i32
    %jit3A_62 = arith.constant 1 : i32
    %select_n3A_63 = arith.select %eq3A_61, %jit3A_62, %jit3A_59 : i32
    %rem3A_64 = vector.broadcast %select_n3A_63 : i32 to vector<16xi32>
    %rem3A_65 = arith.remsi %add3A_58, %rem3A_64 : vector<16xi32>
    %ne3A_66 = arith.constant 0 : i32
    %ne3A_67 = vector.broadcast %ne3A_66 : i32 to vector<16xi32>
    %ne3A_68 = arith.cmpi ne, %rem3A_65, %ne3A_67 : vector<16xi32>
    %lt3A_69 = arith.constant 0 : i32
    %lt3A_70 = vector.broadcast %lt3A_69 : i32 to vector<16xi32>
    %lt3A_71 = arith.cmpi slt, %rem3A_65, %lt3A_70 : vector<16xi32>
    %lt3A_72 = arith.constant 0 : i32
    %lt3A_73 = arith.cmpi slt, %select_n3A_63, %lt3A_72 : i32
    %ne3A_74 = vector.broadcast %lt3A_73 : i1 to vector<16xi1>
    %ne3A_75 = vector.broadcast %ne3A_74 : vector<16xi1> to vector<16xi1>
    %ne3A_76 = arith.xori %lt3A_71, %ne3A_75 : vector<16xi1>
    %and3A_77 = arith.andi %ne3A_76, %ne3A_68 : vector<16xi1>
    %add3A_78 = vector.broadcast %select_n3A_63 : i32 to vector<16xi32>
    %add3A_79 = arith.addi %rem3A_65, %add3A_78 : vector<16xi32>
    %select_n3A_80 = arith.select %and3A_77, %add3A_79, %rem3A_65 : vector<16xi1>, vector<16xi32>
    %jit3A_81 = arith.constant 6 : i32
    %div3A_82 = vector.broadcast %jit3A_81 : i32 to vector<16xi32>
    %div3A_83 = arith.divsi %add3A_58, %div3A_82 : vector<16xi32>
    %sign3A_84 = arith.constant 0 : i32
    %sign3A_85 = vector.broadcast %sign3A_84 : i32 to vector<16xi32>
    %sign3A_86 = arith.cmpi sgt, %add3A_58, %sign3A_85 : vector<16xi32>
    %sign3A_87 = arith.extui %sign3A_86 : vector<16xi1> to vector<16xi32>
    %sign3A_88 = arith.constant 0 : i32
    %sign3A_89 = vector.broadcast %sign3A_88 : i32 to vector<16xi32>
    %sign3A_90 = arith.cmpi slt, %add3A_58, %sign3A_89 : vector<16xi32>
    %sign3A_91 = arith.extui %sign3A_90 : vector<16xi1> to vector<16xi32>
    %sign3A_92 = arith.subi %sign3A_87, %sign3A_91 : vector<16xi32>
    %sign3A_93 = arith.constant 0 : i32
    %sign3A_94 = arith.cmpi sgt, %jit3A_81, %sign3A_93 : i32
    %sign3A_95 = arith.extui %sign3A_94 : i1 to i32
    %sign3A_96 = arith.constant 0 : i32
    %sign3A_97 = arith.cmpi slt, %jit3A_81, %sign3A_96 : i32
    %sign3A_98 = arith.extui %sign3A_97 : i1 to i32
    %sign3A_99 = arith.subi %sign3A_95, %sign3A_98 : i32
    %ne3A_100 = vector.broadcast %sign3A_99 : i32 to vector<16xi32>
    %ne3A_101 = arith.cmpi ne, %sign3A_92, %ne3A_100 : vector<16xi32>
    %rem3A_102 = vector.broadcast %jit3A_81 : i32 to vector<16xi32>
    %rem3A_103 = arith.remsi %add3A_58, %rem3A_102 : vector<16xi32>
    %ne3A_104 = arith.constant 0 : i32
    %ne3A_105 = vector.broadcast %ne3A_104 : i32 to vector<16xi32>
    %ne3A_106 = arith.cmpi ne, %rem3A_103, %ne3A_105 : vector<16xi32>
    %and3A_107 = arith.andi %ne3A_101, %ne3A_106 : vector<16xi1>
    %sub3A_108 = arith.constant 1 : i32
    %sub3A_109 = vector.broadcast %sub3A_108 : i32 to vector<16xi32>
    %sub3A_110 = arith.subi %div3A_83, %sub3A_109 : vector<16xi32>
    %select_n3A_111 = arith.select %and3A_107, %sub3A_110, %div3A_83 : vector<16xi1>, vector<16xi32>
    %add3A_112 = vector.broadcast %select_n3A_52 : i32 to vector<16xi32>
    %add3A_113 = arith.addi %add3A_112, %select_n3A_111 : vector<16xi32>
    %min3A_114 = arith.constant 511 : i32
    %min3A_115 = vector.broadcast %min3A_114 : i32 to vector<16xi32>
    %min3A_116 = arith.minsi %add3A_113, %min3A_115 : vector<16xi32>
    %mul3A_117 = arith.constant 6 : i32
    %mul3A_118 = arith.muli %select_n3A, %mul3A_117 : i32
    %add3A_119 = vector.broadcast %mul3A_118 : i32 to vector<16xi32>
    %add3A_120 = arith.addi %add3A_119, %select_n3A_80 : vector<16xi32>
    %mul3A_121 = arith.constant 512 : i32
    %mul3A_122 = vector.broadcast %mul3A_121 : i32 to vector<16xi32>
    %mul3A_123 = arith.muli %add3A_120, %mul3A_122 : vector<16xi32>
    %add3A_124 = arith.addi %mul3A_123, %min3A_116 : vector<16xi32>
    %swap3A = arith.constant 0 : index
    %swap3A_125 = tpu.vector_load %arg12[%swap3A] {strides = array<i32>} : memref<16xi32, #tpu.memory_space<vmem>>, vector<16xi32>,
    tpu.vector_store %arg12[%swap3A], %add3A_124 {strides = array<i32>} : memref<16xi32, #tpu.memory_space<vmem>>, vector<16xi32>,
    %dma_start3A_126 = arith.constant 0 : i32
    %dma_start3A_127 = tpu.memref_slice %arg12[%dma_start3A_126] : memref<16xi32, #tpu.memory_space<vmem>> -> memref<8xi32, #tpu.memory_space<vmem>>
    %dma_start3A_128 = arith.constant 0 : i32
    %dma_start3A_129 = arith.constant 0 : i32
    %dma_start3A_130 = tpu.memref_slice %arg2[%dma_start3A_128, %dma_start3A_129] : memref<24576x1024xf32, #tpu.memory_space<hbm>> -> memref<24576x1024xf32, #tpu.memory_space<hbm>>
    tpu.enqueue_indirect_dma source(%dma_start3A_130 : memref<24576x1024xf32, #tpu.memory_space<hbm>>) target(%arg10 : memref<8x1024xf32, #tpu.memory_space<vmem>>) offsets(%dma_start3A_127 : memref<8xi32, #tpu.memory_space<vmem>>) semaphore(%arg17 : memref<!tpu.dma_semaphore, #tpu.memory_space<semaphore_mem>>)
    %dma_start3A_131 = arith.constant 8 : i32
    %dma_start3A_132 = tpu.memref_slice %arg12[%dma_start3A_131] : memref<16xi32, #tpu.memory_space<vmem>> -> memref<1xi32, #tpu.memory_space<vmem>>
    %dma_start3A_133 = arith.constant 0 : i32
    %dma_start3A_134 = arith.constant 0 : i32
    %dma_start3A_135 = tpu.memref_slice %arg2[%dma_start3A_133, %dma_start3A_134] : memref<24576x1024xf32, #tpu.memory_space<hbm>> -> memref<24576x1024xf32, #tpu.memory_space<hbm>>
    tpu.enqueue_indirect_dma source(%dma_start3A_135 : memref<24576x1024xf32, #tpu.memory_space<hbm>>) target(%arg11 : memref<1x1024xf32, #tpu.memory_space<vmem>>) offsets(%dma_start3A_132 : memref<1xi32, #tpu.memory_space<vmem>>) semaphore(%arg18 : memref<!tpu.dma_semaphore, #tpu.memory_space<semaphore_mem>>)
    %eq3A_136 = arith.constant 0 : i32
    %eq3A_137 = arith.cmpi eq, %select_n3A_30, %eq3A_136 : i32
    %convert_element_type3A = arith.extui %eq3A_137 : i1 to i32
    %cond3A = arith.constant 0 : i32
    %cond3A_138 = arith.cmpi ne, %convert_element_type3A, %cond3A : i32
    scf.if %cond3A_138 {
      "tpu.region"() ({
        %run_scoped3A_596 = tpu.sem_alloc : memref<!tpu.dma_semaphore, #tpu.memory_space<semaphore_mem>>
        tpu.enqueue_dma source(%arg5 : memref<1x1024xf32, #tpu.memory_space<hbm>>) target(%arg13 : memref<1x1024xf32, #tpu.memory_space<vmem>>) target_semaphore(%run_scoped3A_596 : memref<!tpu.dma_semaphore, #tpu.memory_space<semaphore_mem>>)
        tpu.wait_dma2 semaphore(%run_scoped3A_596 : memref<!tpu.dma_semaphore, #tpu.memory_space<semaphore_mem>>) src(%arg5 : memref<1x1024xf32, #tpu.memory_space<hbm>>) dst(%arg13 : memref<1x1024xf32, #tpu.memory_space<vmem>>)
        tpu.yield
      }) : () -> ()
      %run_scoped3A = arith.constant 36 : i32
      "tpu.region"() ({
        %run_scoped3A_596 = tpu.sem_alloc : memref<!tpu.dma_semaphore, #tpu.memory_space<semaphore_mem>>
        %dma_start3A_597 = arith.constant 0 : i32
        %dma_start3A_598 = tpu.memref_slice %arg6[%run_scoped3A, %select_n3A, %dma_start3A_597] : memref<37x8x1024xf32, #tpu.memory_space<hbm>> -> memref<1x1x1024xf32, #tpu.memory_space<hbm>>
        %dma_start3A_599 = tpu.memref_squeeze %dma_start3A_598 : memref<1x1x1024xf32, #tpu.memory_space<hbm>> -> memref<1x1024xf32, #tpu.memory_space<hbm>>
        %dma_start3A_600 = arith.constant 0 : i32
        %dma_start3A_601 = tpu.memref_slice %arg6[%run_scoped3A, %select_n3A, %dma_start3A_600] : memref<37x8x1024xf32, #tpu.memory_space<hbm>> -> memref<1x1x1024xf32, #tpu.memory_space<hbm>>
        %dma_start3A_602 = tpu.memref_squeeze %dma_start3A_601 : memref<1x1x1024xf32, #tpu.memory_space<hbm>> -> memref<1x1024xf32, #tpu.memory_space<hbm>>
        tpu.enqueue_dma source(%arg13 : memref<1x1024xf32, #tpu.memory_space<vmem>>) target(%dma_start3A_602 : memref<1x1024xf32, #tpu.memory_space<hbm>>) target_semaphore(%run_scoped3A_596 : memref<!tpu.dma_semaphore, #tpu.memory_space<semaphore_mem>>)
        %dma_wait3A_603 = arith.constant 0 : i32
        %dma_wait3A_604 = tpu.memref_slice %arg6[%run_scoped3A, %select_n3A, %dma_wait3A_603] : memref<37x8x1024xf32, #tpu.memory_space<hbm>> -> memref<1x1x1024xf32, #tpu.memory_space<hbm>>
        %dma_wait3A_605 = tpu.memref_squeeze %dma_wait3A_604 : memref<1x1x1024xf32, #tpu.memory_space<hbm>> -> memref<1x1024xf32, #tpu.memory_space<hbm>>
        %dma_wait3A_606 = arith.constant 0 : i32
        %dma_wait3A_607 = tpu.memref_slice %arg6[%run_scoped3A, %select_n3A, %dma_wait3A_606] : memref<37x8x1024xf32, #tpu.memory_space<hbm>> -> memref<1x1x1024xf32, #tpu.memory_space<hbm>>
        %dma_wait3A_608 = tpu.memref_squeeze %dma_wait3A_607 : memref<1x1x1024xf32, #tpu.memory_space<hbm>> -> memref<1x1024xf32, #tpu.memory_space<hbm>>
        tpu.wait_dma2 semaphore(%run_scoped3A_596 : memref<!tpu.dma_semaphore, #tpu.memory_space<semaphore_mem>>) src(%arg13 : memref<1x1024xf32, #tpu.memory_space<vmem>>) dst(%dma_wait3A_608 : memref<1x1024xf32, #tpu.memory_space<hbm>>)
        tpu.yield
      }) : () -> ()
      %add3A_423 = arith.constant 0 : i32
      %add3A_424 = vector.broadcast %add3A_423 : i32 to vector<16xi32>
      %add3A_425 = arith.addi %iota3A, %add3A_424 : vector<16xi32>
      %jit3A_426 = arith.constant 6 : i32
      %div3A_427 = vector.broadcast %jit3A_426 : i32 to vector<16xi32>
      %div3A_428 = arith.divsi %add3A_425, %div3A_427 : vector<16xi32>
      %sign3A_429 = arith.constant 0 : i32
      %sign3A_430 = vector.broadcast %sign3A_429 : i32 to vector<16xi32>
      %sign3A_431 = arith.cmpi sgt, %add3A_425, %sign3A_430 : vector<16xi32>
      %sign3A_432 = arith.extui %sign3A_431 : vector<16xi1> to vector<16xi32>
      %sign3A_433 = arith.constant 0 : i32
      %sign3A_434 = vector.broadcast %sign3A_433 : i32 to vector<16xi32>
      %sign3A_435 = arith.cmpi slt, %add3A_425, %sign3A_434 : vector<16xi32>
      %sign3A_436 = arith.extui %sign3A_435 : vector<16xi1> to vector<16xi32>
      %sign3A_437 = arith.subi %sign3A_432, %sign3A_436 : vector<16xi32>
      %sign3A_438 = arith.constant 0 : i32
      %sign3A_439 = arith.cmpi sgt, %jit3A_426, %sign3A_438 : i32
      %sign3A_440 = arith.extui %sign3A_439 : i1 to i32
      %sign3A_441 = arith.constant 0 : i32
      %sign3A_442 = arith.cmpi slt, %jit3A_426, %sign3A_441 : i32
      %sign3A_443 = arith.extui %sign3A_442 : i1 to i32
      %sign3A_444 = arith.subi %sign3A_440, %sign3A_443 : i32
      %ne3A_445 = vector.broadcast %sign3A_444 : i32 to vector<16xi32>
      %ne3A_446 = arith.cmpi ne, %sign3A_437, %ne3A_445 : vector<16xi32>
      %rem3A_447 = vector.broadcast %jit3A_426 : i32 to vector<16xi32>
      %rem3A_448 = arith.remsi %add3A_425, %rem3A_447 : vector<16xi32>
      %ne3A_449 = arith.constant 0 : i32
      %ne3A_450 = vector.broadcast %ne3A_449 : i32 to vector<16xi32>
      %ne3A_451 = arith.cmpi ne, %rem3A_448, %ne3A_450 : vector<16xi32>
      %and3A_452 = arith.andi %ne3A_446, %ne3A_451 : vector<16xi1>
      %sub3A_453 = arith.constant 1 : i32
      %sub3A_454 = vector.broadcast %sub3A_453 : i32 to vector<16xi32>
      %sub3A_455 = arith.subi %div3A_428, %sub3A_454 : vector<16xi32>
      %select_n3A_456 = arith.select %and3A_452, %sub3A_455, %div3A_428 : vector<16xi1>, vector<16xi32>
      %add3A_457 = vector.broadcast %select_n3A_52 : i32 to vector<16xi32>
      %add3A_458 = arith.addi %add3A_457, %select_n3A_456 : vector<16xi32>
      %min3A_459 = arith.constant 511 : i32
      %min3A_460 = vector.broadcast %min3A_459 : i32 to vector<16xi32>
      %min3A_461 = arith.minsi %add3A_458, %min3A_460 : vector<16xi32>
      %broadcast_in_dim3A_462 = arith.constant 0 : i32
      %broadcast_in_dim3A_463 = vector.broadcast %broadcast_in_dim3A_462 : i32 to vector<16xi32>
      %gather3A = tpu.vector_load_idx %arg8[%broadcast_in_dim3A_463, %min3A_461] : memref<1x512xi32, #tpu.memory_space<vmem>>[vector<16xi32>, vector<16xi32>], vector<16xi32>,
      %eq3A_464 = arith.constant 0 : i32
      %eq3A_465 = vector.broadcast %eq3A_464 : i32 to vector<16xi32>
      %eq3A_466 = arith.cmpi eq, %gather3A, %eq3A_465 : vector<16xi32>
      %lt3A_467 = arith.constant 36 : i32
      %lt3A_468 = vector.broadcast %lt3A_467 : i32 to vector<16xi32>
      %lt3A_469 = arith.cmpi slt, %add3A_425, %lt3A_468 : vector<16xi32>
      %and3A_470 = arith.andi %eq3A_466, %lt3A_469 : vector<16xi1>
      %jit3A_471 = arith.constant 1 : i32
      %jit3A_472 = arith.constant 0 : i32
      %broadcast_in_dim3A_473 = vector.broadcast %jit3A_471 : i32 to vector<16xi32>
      %broadcast_in_dim3A_474 = vector.broadcast %jit3A_472 : i32 to vector<16xi32>
      %select_n3A_475 = arith.select %and3A_470, %broadcast_in_dim3A_473, %broadcast_in_dim3A_474 : vector<16xi1>, vector<16xi32>
      %swap3A_476 = arith.constant 0 : i32
      %swap3A_477 = arith.index_cast %swap3A_476 : i32 to index
      %swap3A_478 = arith.constant 0 : index
      %swap3A_479 = tpu.vector_load %arg14[%swap3A_477, %swap3A_478] {strides = array<i32>} : memref<1x48xi32, #tpu.memory_space<vmem>>, vector<16xi32>,
      tpu.vector_store %arg14[%swap3A_477, %swap3A_478], %select_n3A_475 {strides = array<i32>} : memref<1x48xi32, #tpu.memory_space<vmem>>, vector<16xi32>,
      %add3A_480 = arith.constant 16 : i32
      %add3A_481 = vector.broadcast %add3A_480 : i32 to vector<16xi32>
      %add3A_482 = arith.addi %iota3A, %add3A_481 : vector<16xi32>
      %jit3A_483 = arith.constant 6 : i32
      %div3A_484 = vector.broadcast %jit3A_483 : i32 to vector<16xi32>
      %div3A_485 = arith.divsi %add3A_482, %div3A_484 : vector<16xi32>
      %sign3A_486 = arith.constant 0 : i32
      %sign3A_487 = vector.broadcast %sign3A_486 : i32 to vector<16xi32>
      %sign3A_488 = arith.cmpi sgt, %add3A_482, %sign3A_487 : vector<16xi32>
      %sign3A_489 = arith.extui %sign3A_488 : vector<16xi1> to vector<16xi32>
      %sign3A_490 = arith.constant 0 : i32
      %sign3A_491 = vector.broadcast %sign3A_490 : i32 to vector<16xi32>
      %sign3A_492 = arith.cmpi slt, %add3A_482, %sign3A_491 : vector<16xi32>
      %sign3A_493 = arith.extui %sign3A_492 : vector<16xi1> to vector<16xi32>
      %sign3A_494 = arith.subi %sign3A_489, %sign3A_493 : vector<16xi32>
      %sign3A_495 = arith.constant 0 : i32
      %sign3A_496 = arith.cmpi sgt, %jit3A_483, %sign3A_495 : i32
      %sign3A_497 = arith.extui %sign3A_496 : i1 to i32
      %sign3A_498 = arith.constant 0 : i32
      %sign3A_499 = arith.cmpi slt, %jit3A_483, %sign3A_498 : i32
      %sign3A_500 = arith.extui %sign3A_499 : i1 to i32
      %sign3A_501 = arith.subi %sign3A_497, %sign3A_500 : i32
      %ne3A_502 = vector.broadcast %sign3A_501 : i32 to vector<16xi32>
      %ne3A_503 = arith.cmpi ne, %sign3A_494, %ne3A_502 : vector<16xi32>
      %rem3A_504 = vector.broadcast %jit3A_483 : i32 to vector<16xi32>
      %rem3A_505 = arith.remsi %add3A_482, %rem3A_504 : vector<16xi32>
      %ne3A_506 = arith.constant 0 : i32
      %ne3A_507 = vector.broadcast %ne3A_506 : i32 to vector<16xi32>
      %ne3A_508 = arith.cmpi ne, %rem3A_505, %ne3A_507 : vector<16xi32>
      %and3A_509 = arith.andi %ne3A_503, %ne3A_508 : vector<16xi1>
      %sub3A_510 = arith.constant 1 : i32
      %sub3A_511 = vector.broadcast %sub3A_510 : i32 to vector<16xi32>
      %sub3A_512 = arith.subi %div3A_485, %sub3A_511 : vector<16xi32>
      %select_n3A_513 = arith.select %and3A_509, %sub3A_512, %div3A_485 : vector<16xi1>, vector<16xi32>
      %add3A_514 = vector.broadcast %select_n3A_52 : i32 to vector<16xi32>
      %add3A_515 = arith.addi %add3A_514, %select_n3A_513 : vector<16xi32>
      %min3A_516 = arith.constant 511 : i32
      %min3A_517 = vector.broadcast %min3A_516 : i32 to vector<16xi32>
      %min3A_518 = arith.minsi %add3A_515, %min3A_517 : vector<16xi32>
      %broadcast_in_dim3A_519 = arith.constant 0 : i32
      %broadcast_in_dim3A_520 = vector.broadcast %broadcast_in_dim3A_519 : i32 to vector<16xi32>
      %gather3A_521 = tpu.vector_load_idx %arg8[%broadcast_in_dim3A_520, %min3A_518] : memref<1x512xi32, #tpu.memory_space<vmem>>[vector<16xi32>, vector<16xi32>], vector<16xi32>,
      %eq3A_522 = arith.constant 0 : i32
      %eq3A_523 = vector.broadcast %eq3A_522 : i32 to vector<16xi32>
      %eq3A_524 = arith.cmpi eq, %gather3A_521, %eq3A_523 : vector<16xi32>
      %lt3A_525 = arith.constant 36 : i32
      %lt3A_526 = vector.broadcast %lt3A_525 : i32 to vector<16xi32>
      %lt3A_527 = arith.cmpi slt, %add3A_482, %lt3A_526 : vector<16xi32>
      %and3A_528 = arith.andi %eq3A_524, %lt3A_527 : vector<16xi1>
      %jit3A_529 = arith.constant 1 : i32
      %jit3A_530 = arith.constant 0 : i32
      %broadcast_in_dim3A_531 = vector.broadcast %jit3A_529 : i32 to vector<16xi32>
      %broadcast_in_dim3A_532 = vector.broadcast %jit3A_530 : i32 to vector<16xi32>
      %select_n3A_533 = arith.select %and3A_528, %broadcast_in_dim3A_531, %broadcast_in_dim3A_532 : vector<16xi1>, vector<16xi32>
      %swap3A_534 = arith.constant 0 : i32
      %swap3A_535 = arith.index_cast %swap3A_534 : i32 to index
      %swap3A_536 = arith.constant 16 : index
      %swap3A_537 = tpu.vector_load %arg14[%swap3A_535, %swap3A_536] {strides = array<i32>} : memref<1x48xi32, #tpu.memory_space<vmem>>, vector<16xi32>,
      tpu.vector_store %arg14[%swap3A_535, %swap3A_536], %select_n3A_533 {strides = array<i32>} : memref<1x48xi32, #tpu.memory_space<vmem>>, vector<16xi32>,
      %add3A_538 = arith.constant 32 : i32
      %add3A_539 = vector.broadcast %add3A_538 : i32 to vector<16xi32>
      %add3A_540 = arith.addi %iota3A, %add3A_539 : vector<16xi32>
      %jit3A_541 = arith.constant 6 : i32
      %div3A_542 = vector.broadcast %jit3A_541 : i32 to vector<16xi32>
      %div3A_543 = arith.divsi %add3A_540, %div3A_542 : vector<16xi32>
      %sign3A_544 = arith.constant 0 : i32
      %sign3A_545 = vector.broadcast %sign3A_544 : i32 to vector<16xi32>
      %sign3A_546 = arith.cmpi sgt, %add3A_540, %sign3A_545 : vector<16xi32>
      %sign3A_547 = arith.extui %sign3A_546 : vector<16xi1> to vector<16xi32>
      %sign3A_548 = arith.constant 0 : i32
      %sign3A_549 = vector.broadcast %sign3A_548 : i32 to vector<16xi32>
      %sign3A_550 = arith.cmpi slt, %add3A_540, %sign3A_549 : vector<16xi32>
      %sign3A_551 = arith.extui %sign3A_550 : vector<16xi1> to vector<16xi32>
      %sign3A_552 = arith.subi %sign3A_547, %sign3A_551 : vector<16xi32>
      %sign3A_553 = arith.constant 0 : i32
      %sign3A_554 = arith.cmpi sgt, %jit3A_541, %sign3A_553 : i32
      %sign3A_555 = arith.extui %sign3A_554 : i1 to i32
      %sign3A_556 = arith.constant 0 : i32
      %sign3A_557 = arith.cmpi slt, %jit3A_541, %sign3A_556 : i32
      %sign3A_558 = arith.extui %sign3A_557 : i1 to i32
      %sign3A_559 = arith.subi %sign3A_555, %sign3A_558 : i32
      %ne3A_560 = vector.broadcast %sign3A_559 : i32 to vector<16xi32>
      %ne3A_561 = arith.cmpi ne, %sign3A_552, %ne3A_560 : vector<16xi32>
      %rem3A_562 = vector.broadcast %jit3A_541 : i32 to vector<16xi32>
      %rem3A_563 = arith.remsi %add3A_540, %rem3A_562 : vector<16xi32>
      %ne3A_564 = arith.constant 0 : i32
      %ne3A_565 = vector.broadcast %ne3A_564 : i32 to vector<16xi32>
      %ne3A_566 = arith.cmpi ne, %rem3A_563, %ne3A_565 : vector<16xi32>
      %and3A_567 = arith.andi %ne3A_561, %ne3A_566 : vector<16xi1>
      %sub3A_568 = arith.constant 1 : i32
      %sub3A_569 = vector.broadcast %sub3A_568 : i32 to vector<16xi32>
      %sub3A_570 = arith.subi %div3A_543, %sub3A_569 : vector<16xi32>
      %select_n3A_571 = arith.select %and3A_567, %sub3A_570, %div3A_543 : vector<16xi1>, vector<16xi32>
      %add3A_572 = vector.broadcast %select_n3A_52 : i32 to vector<16xi32>
      %add3A_573 = arith.addi %add3A_572, %select_n3A_571 : vector<16xi32>
      %min3A_574 = arith.constant 511 : i32
      %min3A_575 = vector.broadcast %min3A_574 : i32 to vector<16xi32>
      %min3A_576 = arith.minsi %add3A_573, %min3A_575 : vector<16xi32>
      %broadcast_in_dim3A_577 = arith.constant 0 : i32
      %broadcast_in_dim3A_578 = vector.broadcast %broadcast_in_dim3A_577 : i32 to vector<16xi32>
      %gather3A_579 = tpu.vector_load_idx %arg8[%broadcast_in_dim3A_578, %min3A_576] : memref<1x512xi32, #tpu.memory_space<vmem>>[vector<16xi32>, vector<16xi32>], vector<16xi32>,
      %eq3A_580 = arith.constant 0 : i32
      %eq3A_581 = vector.broadcast %eq3A_580 : i32 to vector<16xi32>
      %eq3A_582 = arith.cmpi eq, %gather3A_579, %eq3A_581 : vector<16xi32>
      %lt3A_583 = arith.constant 36 : i32
      %lt3A_584 = vector.broadcast %lt3A_583 : i32 to vector<16xi32>
      %lt3A_585 = arith.cmpi slt, %add3A_540, %lt3A_584 : vector<16xi32>
      %and3A_586 = arith.andi %eq3A_582, %lt3A_585 : vector<16xi1>
      %jit3A_587 = arith.constant 1 : i32
      %jit3A_588 = arith.constant 0 : i32
      %broadcast_in_dim3A_589 = vector.broadcast %jit3A_587 : i32 to vector<16xi32>
      %broadcast_in_dim3A_590 = vector.broadcast %jit3A_588 : i32 to vector<16xi32>
      %select_n3A_591 = arith.select %and3A_586, %broadcast_in_dim3A_589, %broadcast_in_dim3A_590 : vector<16xi1>, vector<16xi32>
      %swap3A_592 = arith.constant 0 : i32
      %swap3A_593 = arith.index_cast %swap3A_592 : i32 to index
      %swap3A_594 = arith.constant 32 : index
      %swap3A_595 = tpu.vector_load %arg14[%swap3A_593, %swap3A_594] {strides = array<i32>} : memref<1x48xi32, #tpu.memory_space<vmem>>, vector<16xi32>,
      tpu.vector_store %arg14[%swap3A_593, %swap3A_594], %select_n3A_591 {strides = array<i32>} : memref<1x48xi32, #tpu.memory_space<vmem>>, vector<16xi32>,
      "tpu.region"() ({
        %run_scoped3A_596 = tpu.sem_alloc : memref<!tpu.dma_semaphore, #tpu.memory_space<semaphore_mem>>
        %dma_start3A_597 = arith.constant 0 : i32
        %dma_start3A_598 = tpu.memref_slice %arg7[%select_n3A, %dma_start3A_597] : memref<8x48xi32, #tpu.memory_space<hbm>> -> memref<1x48xi32, #tpu.memory_space<hbm>>
        %dma_start3A_599 = arith.constant 0 : i32
        %dma_start3A_600 = tpu.memref_slice %arg7[%select_n3A, %dma_start3A_599] : memref<8x48xi32, #tpu.memory_space<hbm>> -> memref<1x48xi32, #tpu.memory_space<hbm>>
        tpu.enqueue_dma source(%arg14 : memref<1x48xi32, #tpu.memory_space<vmem>>) target(%dma_start3A_600 : memref<1x48xi32, #tpu.memory_space<hbm>>) target_semaphore(%run_scoped3A_596 : memref<!tpu.dma_semaphore, #tpu.memory_space<semaphore_mem>>)
        %dma_wait3A_601 = arith.constant 0 : i32
        %dma_wait3A_602 = tpu.memref_slice %arg7[%select_n3A, %dma_wait3A_601] : memref<8x48xi32, #tpu.memory_space<hbm>> -> memref<1x48xi32, #tpu.memory_space<hbm>>
        %dma_wait3A_603 = arith.constant 0 : i32
        %dma_wait3A_604 = tpu.memref_slice %arg7[%select_n3A, %dma_wait3A_603] : memref<8x48xi32, #tpu.memory_space<hbm>> -> memref<1x48xi32, #tpu.memory_space<hbm>>
        tpu.wait_dma2 semaphore(%run_scoped3A_596 : memref<!tpu.dma_semaphore, #tpu.memory_space<semaphore_mem>>) src(%arg14 : memref<1x48xi32, #tpu.memory_space<vmem>>) dst(%dma_wait3A_604 : memref<1x48xi32, #tpu.memory_space<hbm>>)
        tpu.yield
      }) : () -> ()
    } else {
    }
    tpu.wait_dma2 semaphore(%arg15 : memref<!tpu.dma_semaphore, #tpu.memory_space<semaphore_mem>>) src(%arg4 : memref<6x1024xf32, #tpu.memory_space<hbm>>) dst(%arg9 : memref<6x1024xf32, #tpu.memory_space<vmem>>)
    %dma_wait3A_139 = arith.constant 0 : i32
    %dma_wait3A_140 = tpu.memref_slice %arg12[%dma_wait3A_139] : memref<16xi32, #tpu.memory_space<vmem>> -> memref<8xi32, #tpu.memory_space<vmem>>
    %dma_wait3A_141 = arith.constant 0 : i32
    %dma_wait3A_142 = arith.constant 0 : i32
    %dma_wait3A_143 = tpu.memref_slice %arg2[%dma_wait3A_141, %dma_wait3A_142] : memref<24576x1024xf32, #tpu.memory_space<hbm>> -> memref<24576x1024xf32, #tpu.memory_space<hbm>>
    tpu.wait_indirect_dma semaphore(%arg17 : memref<!tpu.dma_semaphore, #tpu.memory_space<semaphore_mem>>) src(%dma_wait3A_143 : memref<24576x1024xf32, #tpu.memory_space<hbm>>) dst(%arg10 : memref<8x1024xf32, #tpu.memory_space<vmem>>)
    %scan3A_144 = arith.constant 0 : i32
    %scan3A_145 = arith.constant 0 : i32
    %scan3A_146 = arith.constant 512 : i32
    %scan3A_147 = arith.addi %scan3A_145, %scan3A_146 : i32
    %scan3A_148 = arith.constant 8 : i32
    %scan3A_149 = scf.for %scan3A_423 = %scan3A_145 to %scan3A_147 step %scan3A_148 iter_args(%scan3A_424 = %scan3A_144) -> (i32)  : i32 {
      %jit3A_425 = arith.constant 64 : i32
      %div3A_426 = arith.divsi %scan3A_423, %jit3A_425 : i32
      %sign3A_427 = arith.constant 0 : i32
      %sign3A_428 = arith.cmpi sgt, %scan3A_423, %sign3A_427 : i32
      %sign3A_429 = arith.extui %sign3A_428 : i1 to i32
      %sign3A_430 = arith.constant 0 : i32
      %sign3A_431 = arith.cmpi slt, %scan3A_423, %sign3A_430 : i32
      %sign3A_432 = arith.extui %sign3A_431 : i1 to i32
      %sign3A_433 = arith.subi %sign3A_429, %sign3A_432 : i32
      %sign3A_434 = arith.constant 0 : i32
      %sign3A_435 = arith.cmpi sgt, %jit3A_425, %sign3A_434 : i32
      %sign3A_436 = arith.extui %sign3A_435 : i1 to i32
      %sign3A_437 = arith.constant 0 : i32
      %sign3A_438 = arith.cmpi slt, %jit3A_425, %sign3A_437 : i32
      %sign3A_439 = arith.extui %sign3A_438 : i1 to i32
      %sign3A_440 = arith.subi %sign3A_436, %sign3A_439 : i32
      %ne3A_441 = arith.cmpi ne, %sign3A_433, %sign3A_440 : i32
      %rem3A_442 = arith.remsi %scan3A_423, %jit3A_425 : i32
      %ne3A_443 = arith.constant 0 : i32
      %ne3A_444 = arith.cmpi ne, %rem3A_442, %ne3A_443 : i32
      %and3A_445 = arith.andi %ne3A_441, %ne3A_444 : i1
      %sub3A_446 = arith.constant 1 : i32
      %sub3A_447 = arith.subi %div3A_426, %sub3A_446 : i32
      %select_n3A_448 = arith.select %and3A_445, %sub3A_447, %div3A_426 : i32
      %jit3A_449 = arith.constant 64 : i32
      %eq3A_450 = arith.constant 0 : i32
      %eq3A_451 = arith.cmpi eq, %jit3A_449, %eq3A_450 : i32
      %jit3A_452 = arith.constant 1 : i32
      %select_n3A_453 = arith.select %eq3A_451, %jit3A_452, %jit3A_449 : i32
      %rem3A_454 = arith.remsi %scan3A_423, %select_n3A_453 : i32
      %ne3A_455 = arith.constant 0 : i32
      %ne3A_456 = arith.cmpi ne, %rem3A_454, %ne3A_455 : i32
      %lt3A_457 = arith.constant 0 : i32
      %lt3A_458 = arith.cmpi slt, %rem3A_454, %lt3A_457 : i32
      %lt3A_459 = arith.constant 0 : i32
      %lt3A_460 = arith.cmpi slt, %select_n3A_453, %lt3A_459 : i32
      %ne3A_461 = arith.xori %lt3A_458, %lt3A_460 : i1
      %and3A_462 = arith.andi %ne3A_461, %ne3A_456 : i1
      %add3A_463 = arith.addi %rem3A_454, %select_n3A_453 : i32
      %select_n3A_464 = arith.select %and3A_462, %add3A_463, %rem3A_454 : i32
      %mul3A_465 = arith.constant 16 : i32
      %mul3A_466 = arith.muli %select_n3A_464, %mul3A_465 : i32
      %mul3A_467 = arith.constant 9 : i32
      %mul3A_468 = arith.muli %select_n3A_30, %mul3A_467 : i32
      %add3A_469 = arith.addi %mul3A_468, %select_n3A_448 : i32
      %jit3A_470 = arith.constant 6 : i32
      %eq3A_471 = arith.constant 0 : i32
      %eq3A_472 = arith.cmpi eq, %jit3A_470, %eq3A_471 : i32
      %jit3A_473 = arith.constant 1 : i32
      %select_n3A_474 = arith.select %eq3A_472, %jit3A_473, %jit3A_470 : i32
      %rem3A_475 = arith.remsi %add3A_469, %select_n3A_474 : i32
      %ne3A_476 = arith.constant 0 : i32
      %ne3A_477 = arith.cmpi ne, %rem3A_475, %ne3A_476 : i32
      %lt3A_478 = arith.constant 0 : i32
      %lt3A_479 = arith.cmpi slt, %rem3A_475, %lt3A_478 : i32
      %lt3A_480 = arith.constant 0 : i32
      %lt3A_481 = arith.cmpi slt, %select_n3A_474, %lt3A_480 : i32
      %ne3A_482 = arith.xori %lt3A_479, %lt3A_481 : i1
      %and3A_483 = arith.andi %ne3A_482, %ne3A_477 : i1
      %add3A_484 = arith.addi %rem3A_475, %select_n3A_474 : i32
      %select_n3A_485 = arith.select %and3A_483, %add3A_484, %rem3A_475 : i32
      %get3A = arith.index_cast %select_n3A_448 : i32 to index
      %get3A_486 = arith.index_cast %mul3A_466 : i32 to index
      %get3A_487 = tpu.vector_load %arg10[%get3A, %get3A_486] {strides = array<i32>} : memref<8x1024xf32, #tpu.memory_space<vmem>>, vector<16xf32>,
      %get3A_488 = arith.index_cast %select_n3A_485 : i32 to index
      %get3A_489 = arith.index_cast %mul3A_466 : i32 to index
      %get3A_490 = tpu.vector_load %arg9[%get3A_488, %get3A_489] {strides = array<i32>} : memref<6x1024xf32, #tpu.memory_space<vmem>>, vector<16xf32>,
      %add3A_491 = arith.addf %get3A_487, %get3A_490 : vector<16xf32>
      %swap3A_492 = arith.index_cast %select_n3A_448 : i32 to index
      %swap3A_493 = arith.index_cast %mul3A_466 : i32 to index
      %swap3A_494 = tpu.vector_load %arg10[%swap3A_492, %swap3A_493] {strides = array<i32>} : memref<8x1024xf32, #tpu.memory_space<vmem>>, vector<16xf32>,
      tpu.vector_store %arg10[%swap3A_492, %swap3A_493], %add3A_491 {strides = array<i32>} : memref<8x1024xf32, #tpu.memory_space<vmem>>, vector<16xf32>,
      %scan3A_495 = arith.constant 0 : i32
      %scan3A_496 = arith.constant 1 : i32
      %scan3A_497 = arith.addi %scan3A_423, %scan3A_496 : i32
      %jit3A_498 = arith.constant 64 : i32
      %div3A_499 = arith.divsi %scan3A_497, %jit3A_498 : i32
      %sign3A_500 = arith.constant 0 : i32
      %sign3A_501 = arith.cmpi sgt, %scan3A_497, %sign3A_500 : i32
      %sign3A_502 = arith.extui %sign3A_501 : i1 to i32
      %sign3A_503 = arith.constant 0 : i32
      %sign3A_504 = arith.cmpi slt, %scan3A_497, %sign3A_503 : i32
      %sign3A_505 = arith.extui %sign3A_504 : i1 to i32
      %sign3A_506 = arith.subi %sign3A_502, %sign3A_505 : i32
      %sign3A_507 = arith.constant 0 : i32
      %sign3A_508 = arith.cmpi sgt, %jit3A_498, %sign3A_507 : i32
      %sign3A_509 = arith.extui %sign3A_508 : i1 to i32
      %sign3A_510 = arith.constant 0 : i32
      %sign3A_511 = arith.cmpi slt, %jit3A_498, %sign3A_510 : i32
      %sign3A_512 = arith.extui %sign3A_511 : i1 to i32
      %sign3A_513 = arith.subi %sign3A_509, %sign3A_512 : i32
      %ne3A_514 = arith.cmpi ne, %sign3A_506, %sign3A_513 : i32
      %rem3A_515 = arith.remsi %scan3A_497, %jit3A_498 : i32
      %ne3A_516 = arith.constant 0 : i32
      %ne3A_517 = arith.cmpi ne, %rem3A_515, %ne3A_516 : i32
      %and3A_518 = arith.andi %ne3A_514, %ne3A_517 : i1
      %sub3A_519 = arith.constant 1 : i32
      %sub3A_520 = arith.subi %div3A_499, %sub3A_519 : i32
      %select_n3A_521 = arith.select %and3A_518, %sub3A_520, %div3A_499 : i32
      %jit3A_522 = arith.constant 64 : i32
      %eq3A_523 = arith.constant 0 : i32
      %eq3A_524 = arith.cmpi eq, %jit3A_522, %eq3A_523 : i32
      %jit3A_525 = arith.constant 1 : i32
      %select_n3A_526 = arith.select %eq3A_524, %jit3A_525, %jit3A_522 : i32
      %rem3A_527 = arith.remsi %scan3A_497, %select_n3A_526 : i32
      %ne3A_528 = arith.constant 0 : i32
      %ne3A_529 = arith.cmpi ne, %rem3A_527, %ne3A_528 : i32
      %lt3A_530 = arith.constant 0 : i32
      %lt3A_531 = arith.cmpi slt, %rem3A_527, %lt3A_530 : i32
      %lt3A_532 = arith.constant 0 : i32
      %lt3A_533 = arith.cmpi slt, %select_n3A_526, %lt3A_532 : i32
      %ne3A_534 = arith.xori %lt3A_531, %lt3A_533 : i1
      %and3A_535 = arith.andi %ne3A_534, %ne3A_529 : i1
      %add3A_536 = arith.addi %rem3A_527, %select_n3A_526 : i32
      %select_n3A_537 = arith.select %and3A_535, %add3A_536, %rem3A_527 : i32
      %mul3A_538 = arith.constant 16 : i32
      %mul3A_539 = arith.muli %select_n3A_537, %mul3A_538 : i32
      %mul3A_540 = arith.constant 9 : i32
      %mul3A_541 = arith.muli %select_n3A_30, %mul3A_540 : i32
      %add3A_542 = arith.addi %mul3A_541, %select_n3A_521 : i32
      %jit3A_543 = arith.constant 6 : i32
      %eq3A_544 = arith.constant 0 : i32
      %eq3A_545 = arith.cmpi eq, %jit3A_543, %eq3A_544 : i32
      %jit3A_546 = arith.constant 1 : i32
      %select_n3A_547 = arith.select %eq3A_545, %jit3A_546, %jit3A_543 : i32
      %rem3A_548 = arith.remsi %add3A_542, %select_n3A_547 : i32
      %ne3A_549 = arith.constant 0 : i32
      %ne3A_550 = arith.cmpi ne, %rem3A_548, %ne3A_549 : i32
      %lt3A_551 = arith.constant 0 : i32
      %lt3A_552 = arith.cmpi slt, %rem3A_548, %lt3A_551 : i32
      %lt3A_553 = arith.constant 0 : i32
      %lt3A_554 = arith.cmpi slt, %select_n3A_547, %lt3A_553 : i32
      %ne3A_555 = arith.xori %lt3A_552, %lt3A_554 : i1
      %and3A_556 = arith.andi %ne3A_555, %ne3A_550 : i1
      %add3A_557 = arith.addi %rem3A_548, %select_n3A_547 : i32
      %select_n3A_558 = arith.select %and3A_556, %add3A_557, %rem3A_548 : i32
      %get3A_559 = arith.index_cast %select_n3A_521 : i32 to index
      %get3A_560 = arith.index_cast %mul3A_539 : i32 to index
      %get3A_561 = tpu.vector_load %arg10[%get3A_559, %get3A_560] {strides = array<i32>} : memref<8x1024xf32, #tpu.memory_space<vmem>>, vector<16xf32>,
      %get3A_562 = arith.index_cast %select_n3A_558 : i32 to index
      %get3A_563 = arith.index_cast %mul3A_539 : i32 to index
      %get3A_564 = tpu.vector_load %arg9[%get3A_562, %get3A_563] {strides = array<i32>} : memref<6x1024xf32, #tpu.memory_space<vmem>>, vector<16xf32>,
      %add3A_565 = arith.addf %get3A_561, %get3A_564 : vector<16xf32>
      %swap3A_566 = arith.index_cast %select_n3A_521 : i32 to index
      %swap3A_567 = arith.index_cast %mul3A_539 : i32 to index
      %swap3A_568 = tpu.vector_load %arg10[%swap3A_566, %swap3A_567] {strides = array<i32>} : memref<8x1024xf32, #tpu.memory_space<vmem>>, vector<16xf32>,
      tpu.vector_store %arg10[%swap3A_566, %swap3A_567], %add3A_565 {strides = array<i32>} : memref<8x1024xf32, #tpu.memory_space<vmem>>, vector<16xf32>,
      %scan3A_569 = arith.constant 0 : i32
      %scan3A_570 = arith.constant 2 : i32
      %scan3A_571 = arith.addi %scan3A_423, %scan3A_570 : i32
      %jit3A_572 = arith.constant 64 : i32
      %div3A_573 = arith.divsi %scan3A_571, %jit3A_572 : i32
      %sign3A_574 = arith.constant 0 : i32
      %sign3A_575 = arith.cmpi sgt, %scan3A_571, %sign3A_574 : i32
      %sign3A_576 = arith.extui %sign3A_575 : i1 to i32
      %sign3A_577 = arith.constant 0 : i32
      %sign3A_578 = arith.cmpi slt, %scan3A_571, %sign3A_577 : i32
      %sign3A_579 = arith.extui %sign3A_578 : i1 to i32
      %sign3A_580 = arith.subi %sign3A_576, %sign3A_579 : i32
      %sign3A_581 = arith.constant 0 : i32
      %sign3A_582 = arith.cmpi sgt, %jit3A_572, %sign3A_581 : i32
      %sign3A_583 = arith.extui %sign3A_582 : i1 to i32
      %sign3A_584 = arith.constant 0 : i32
      %sign3A_585 = arith.cmpi slt, %jit3A_572, %sign3A_584 : i32
      %sign3A_586 = arith.extui %sign3A_585 : i1 to i32
      %sign3A_587 = arith.subi %sign3A_583, %sign3A_586 : i32
      %ne3A_588 = arith.cmpi ne, %sign3A_580, %sign3A_587 : i32
      %rem3A_589 = arith.remsi %scan3A_571, %jit3A_572 : i32
      %ne3A_590 = arith.constant 0 : i32
      %ne3A_591 = arith.cmpi ne, %rem3A_589, %ne3A_590 : i32
      %and3A_592 = arith.andi %ne3A_588, %ne3A_591 : i1
      %sub3A_593 = arith.constant 1 : i32
      %sub3A_594 = arith.subi %div3A_573, %sub3A_593 : i32
      %select_n3A_595 = arith.select %and3A_592, %sub3A_594, %div3A_573 : i32
      %jit3A_596 = arith.constant 64 : i32
      %eq3A_597 = arith.constant 0 : i32
      %eq3A_598 = arith.cmpi eq, %jit3A_596, %eq3A_597 : i32
      %jit3A_599 = arith.constant 1 : i32
      %select_n3A_600 = arith.select %eq3A_598, %jit3A_599, %jit3A_596 : i32
      %rem3A_601 = arith.remsi %scan3A_571, %select_n3A_600 : i32
      %ne3A_602 = arith.constant 0 : i32
      %ne3A_603 = arith.cmpi ne, %rem3A_601, %ne3A_602 : i32
      %lt3A_604 = arith.constant 0 : i32
      %lt3A_605 = arith.cmpi slt, %rem3A_601, %lt3A_604 : i32
      %lt3A_606 = arith.constant 0 : i32
      %lt3A_607 = arith.cmpi slt, %select_n3A_600, %lt3A_606 : i32
      %ne3A_608 = arith.xori %lt3A_605, %lt3A_607 : i1
      %and3A_609 = arith.andi %ne3A_608, %ne3A_603 : i1
      %add3A_610 = arith.addi %rem3A_601, %select_n3A_600 : i32
      %select_n3A_611 = arith.select %and3A_609, %add3A_610, %rem3A_601 : i32
      %mul3A_612 = arith.constant 16 : i32
      %mul3A_613 = arith.muli %select_n3A_611, %mul3A_612 : i32
      %mul3A_614 = arith.constant 9 : i32
      %mul3A_615 = arith.muli %select_n3A_30, %mul3A_614 : i32
      %add3A_616 = arith.addi %mul3A_615, %select_n3A_595 : i32
      %jit3A_617 = arith.constant 6 : i32
      %eq3A_618 = arith.constant 0 : i32
      %eq3A_619 = arith.cmpi eq, %jit3A_617, %eq3A_618 : i32
      %jit3A_620 = arith.constant 1 : i32
      %select_n3A_621 = arith.select %eq3A_619, %jit3A_620, %jit3A_617 : i32
      %rem3A_622 = arith.remsi %add3A_616, %select_n3A_621 : i32
      %ne3A_623 = arith.constant 0 : i32
      %ne3A_624 = arith.cmpi ne, %rem3A_622, %ne3A_623 : i32
      %lt3A_625 = arith.constant 0 : i32
      %lt3A_626 = arith.cmpi slt, %rem3A_622, %lt3A_625 : i32
      %lt3A_627 = arith.constant 0 : i32
      %lt3A_628 = arith.cmpi slt, %select_n3A_621, %lt3A_627 : i32
      %ne3A_629 = arith.xori %lt3A_626, %lt3A_628 : i1
      %and3A_630 = arith.andi %ne3A_629, %ne3A_624 : i1
      %add3A_631 = arith.addi %rem3A_622, %select_n3A_621 : i32
      %select_n3A_632 = arith.select %and3A_630, %add3A_631, %rem3A_622 : i32
      %get3A_633 = arith.index_cast %select_n3A_595 : i32 to index
      %get3A_634 = arith.index_cast %mul3A_613 : i32 to index
      %get3A_635 = tpu.vector_load %arg10[%get3A_633, %get3A_634] {strides = array<i32>} : memref<8x1024xf32, #tpu.memory_space<vmem>>, vector<16xf32>,
      %get3A_636 = arith.index_cast %select_n3A_632 : i32 to index
      %get3A_637 = arith.index_cast %mul3A_613 : i32 to index
      %get3A_638 = tpu.vector_load %arg9[%get3A_636, %get3A_637] {strides = array<i32>} : memref<6x1024xf32, #tpu.memory_space<vmem>>, vector<16xf32>,
      %add3A_639 = arith.addf %get3A_635, %get3A_638 : vector<16xf32>
      %swap3A_640 = arith.index_cast %select_n3A_595 : i32 to index
      %swap3A_641 = arith.index_cast %mul3A_613 : i32 to index
      %swap3A_642 = tpu.vector_load %arg10[%swap3A_640, %swap3A_641] {strides = array<i32>} : memref<8x1024xf32, #tpu.memory_space<vmem>>, vector<16xf32>,
      tpu.vector_store %arg10[%swap3A_640, %swap3A_641], %add3A_639 {strides = array<i32>} : memref<8x1024xf32, #tpu.memory_space<vmem>>, vector<16xf32>,
      %scan3A_643 = arith.constant 0 : i32
      %scan3A_644 = arith.constant 3 : i32
      %scan3A_645 = arith.addi %scan3A_423, %scan3A_644 : i32
      %jit3A_646 = arith.constant 64 : i32
      %div3A_647 = arith.divsi %scan3A_645, %jit3A_646 : i32
      %sign3A_648 = arith.constant 0 : i32
      %sign3A_649 = arith.cmpi sgt, %scan3A_645, %sign3A_648 : i32
      %sign3A_650 = arith.extui %sign3A_649 : i1 to i32
      %sign3A_651 = arith.constant 0 : i32
      %sign3A_652 = arith.cmpi slt, %scan3A_645, %sign3A_651 : i32
      %sign3A_653 = arith.extui %sign3A_652 : i1 to i32
      %sign3A_654 = arith.subi %sign3A_650, %sign3A_653 : i32
      %sign3A_655 = arith.constant 0 : i32
      %sign3A_656 = arith.cmpi sgt, %jit3A_646, %sign3A_655 : i32
      %sign3A_657 = arith.extui %sign3A_656 : i1 to i32
      %sign3A_658 = arith.constant 0 : i32
      %sign3A_659 = arith.cmpi slt, %jit3A_646, %sign3A_658 : i32
      %sign3A_660 = arith.extui %sign3A_659 : i1 to i32
      %sign3A_661 = arith.subi %sign3A_657, %sign3A_660 : i32
      %ne3A_662 = arith.cmpi ne, %sign3A_654, %sign3A_661 : i32
      %rem3A_663 = arith.remsi %scan3A_645, %jit3A_646 : i32
      %ne3A_664 = arith.constant 0 : i32
      %ne3A_665 = arith.cmpi ne, %rem3A_663, %ne3A_664 : i32
      %and3A_666 = arith.andi %ne3A_662, %ne3A_665 : i1
      %sub3A_667 = arith.constant 1 : i32
      %sub3A_668 = arith.subi %div3A_647, %sub3A_667 : i32
      %select_n3A_669 = arith.select %and3A_666, %sub3A_668, %div3A_647 : i32
      %jit3A_670 = arith.constant 64 : i32
      %eq3A_671 = arith.constant 0 : i32
      %eq3A_672 = arith.cmpi eq, %jit3A_670, %eq3A_671 : i32
      %jit3A_673 = arith.constant 1 : i32
      %select_n3A_674 = arith.select %eq3A_672, %jit3A_673, %jit3A_670 : i32
      %rem3A_675 = arith.remsi %scan3A_645, %select_n3A_674 : i32
      %ne3A_676 = arith.constant 0 : i32
      %ne3A_677 = arith.cmpi ne, %rem3A_675, %ne3A_676 : i32
      %lt3A_678 = arith.constant 0 : i32
      %lt3A_679 = arith.cmpi slt, %rem3A_675, %lt3A_678 : i32
      %lt3A_680 = arith.constant 0 : i32
      %lt3A_681 = arith.cmpi slt, %select_n3A_674, %lt3A_680 : i32
      %ne3A_682 = arith.xori %lt3A_679, %lt3A_681 : i1
      %and3A_683 = arith.andi %ne3A_682, %ne3A_677 : i1
      %add3A_684 = arith.addi %rem3A_675, %select_n3A_674 : i32
      %select_n3A_685 = arith.select %and3A_683, %add3A_684, %rem3A_675 : i32
      %mul3A_686 = arith.constant 16 : i32
      %mul3A_687 = arith.muli %select_n3A_685, %mul3A_686 : i32
      %mul3A_688 = arith.constant 9 : i32
      %mul3A_689 = arith.muli %select_n3A_30, %mul3A_688 : i32
      %add3A_690 = arith.addi %mul3A_689, %select_n3A_669 : i32
      %jit3A_691 = arith.constant 6 : i32
      %eq3A_692 = arith.constant 0 : i32
      %eq3A_693 = arith.cmpi eq, %jit3A_691, %eq3A_692 : i32
      %jit3A_694 = arith.constant 1 : i32
      %select_n3A_695 = arith.select %eq3A_693, %jit3A_694, %jit3A_691 : i32
      %rem3A_696 = arith.remsi %add3A_690, %select_n3A_695 : i32
      %ne3A_697 = arith.constant 0 : i32
      %ne3A_698 = arith.cmpi ne, %rem3A_696, %ne3A_697 : i32
      %lt3A_699 = arith.constant 0 : i32
      %lt3A_700 = arith.cmpi slt, %rem3A_696, %lt3A_699 : i32
      %lt3A_701 = arith.constant 0 : i32
      %lt3A_702 = arith.cmpi slt, %select_n3A_695, %lt3A_701 : i32
      %ne3A_703 = arith.xori %lt3A_700, %lt3A_702 : i1
      %and3A_704 = arith.andi %ne3A_703, %ne3A_698 : i1
      %add3A_705 = arith.addi %rem3A_696, %select_n3A_695 : i32
      %select_n3A_706 = arith.select %and3A_704, %add3A_705, %rem3A_696 : i32
      %get3A_707 = arith.index_cast %select_n3A_669 : i32 to index
      %get3A_708 = arith.index_cast %mul3A_687 : i32 to index
      %get3A_709 = tpu.vector_load %arg10[%get3A_707, %get3A_708] {strides = array<i32>} : memref<8x1024xf32, #tpu.memory_space<vmem>>, vector<16xf32>,
      %get3A_710 = arith.index_cast %select_n3A_706 : i32 to index
      %get3A_711 = arith.index_cast %mul3A_687 : i32 to index
      %get3A_712 = tpu.vector_load %arg9[%get3A_710, %get3A_711] {strides = array<i32>} : memref<6x1024xf32, #tpu.memory_space<vmem>>, vector<16xf32>,
      %add3A_713 = arith.addf %get3A_709, %get3A_712 : vector<16xf32>
      %swap3A_714 = arith.index_cast %select_n3A_669 : i32 to index
      %swap3A_715 = arith.index_cast %mul3A_687 : i32 to index
      %swap3A_716 = tpu.vector_load %arg10[%swap3A_714, %swap3A_715] {strides = array<i32>} : memref<8x1024xf32, #tpu.memory_space<vmem>>, vector<16xf32>,
      tpu.vector_store %arg10[%swap3A_714, %swap3A_715], %add3A_713 {strides = array<i32>} : memref<8x1024xf32, #tpu.memory_space<vmem>>, vector<16xf32>,
      %scan3A_717 = arith.constant 0 : i32
      %scan3A_718 = arith.constant 4 : i32
      %scan3A_719 = arith.addi %scan3A_423, %scan3A_718 : i32
      %jit3A_720 = arith.constant 64 : i32
      %div3A_721 = arith.divsi %scan3A_719, %jit3A_720 : i32
      %sign3A_722 = arith.constant 0 : i32
      %sign3A_723 = arith.cmpi sgt, %scan3A_719, %sign3A_722 : i32
      %sign3A_724 = arith.extui %sign3A_723 : i1 to i32
      %sign3A_725 = arith.constant 0 : i32
      %sign3A_726 = arith.cmpi slt, %scan3A_719, %sign3A_725 : i32
      %sign3A_727 = arith.extui %sign3A_726 : i1 to i32
      %sign3A_728 = arith.subi %sign3A_724, %sign3A_727 : i32
      %sign3A_729 = arith.constant 0 : i32
      %sign3A_730 = arith.cmpi sgt, %jit3A_720, %sign3A_729 : i32
      %sign3A_731 = arith.extui %sign3A_730 : i1 to i32
      %sign3A_732 = arith.constant 0 : i32
      %sign3A_733 = arith.cmpi slt, %jit3A_720, %sign3A_732 : i32
      %sign3A_734 = arith.extui %sign3A_733 : i1 to i32
      %sign3A_735 = arith.subi %sign3A_731, %sign3A_734 : i32
      %ne3A_736 = arith.cmpi ne, %sign3A_728, %sign3A_735 : i32
      %rem3A_737 = arith.remsi %scan3A_719, %jit3A_720 : i32
      %ne3A_738 = arith.constant 0 : i32
      %ne3A_739 = arith.cmpi ne, %rem3A_737, %ne3A_738 : i32
      %and3A_740 = arith.andi %ne3A_736, %ne3A_739 : i1
      %sub3A_741 = arith.constant 1 : i32
      %sub3A_742 = arith.subi %div3A_721, %sub3A_741 : i32
      %select_n3A_743 = arith.select %and3A_740, %sub3A_742, %div3A_721 : i32
      %jit3A_744 = arith.constant 64 : i32
      %eq3A_745 = arith.constant 0 : i32
      %eq3A_746 = arith.cmpi eq, %jit3A_744, %eq3A_745 : i32
      %jit3A_747 = arith.constant 1 : i32
      %select_n3A_748 = arith.select %eq3A_746, %jit3A_747, %jit3A_744 : i32
      %rem3A_749 = arith.remsi %scan3A_719, %select_n3A_748 : i32
      %ne3A_750 = arith.constant 0 : i32
      %ne3A_751 = arith.cmpi ne, %rem3A_749, %ne3A_750 : i32
      %lt3A_752 = arith.constant 0 : i32
      %lt3A_753 = arith.cmpi slt, %rem3A_749, %lt3A_752 : i32
      %lt3A_754 = arith.constant 0 : i32
      %lt3A_755 = arith.cmpi slt, %select_n3A_748, %lt3A_754 : i32
      %ne3A_756 = arith.xori %lt3A_753, %lt3A_755 : i1
      %and3A_757 = arith.andi %ne3A_756, %ne3A_751 : i1
      %add3A_758 = arith.addi %rem3A_749, %select_n3A_748 : i32
      %select_n3A_759 = arith.select %and3A_757, %add3A_758, %rem3A_749 : i32
      %mul3A_760 = arith.constant 16 : i32
      %mul3A_761 = arith.muli %select_n3A_759, %mul3A_760 : i32
      %mul3A_762 = arith.constant 9 : i32
      %mul3A_763 = arith.muli %select_n3A_30, %mul3A_762 : i32
      %add3A_764 = arith.addi %mul3A_763, %select_n3A_743 : i32
      %jit3A_765 = arith.constant 6 : i32
      %eq3A_766 = arith.constant 0 : i32
      %eq3A_767 = arith.cmpi eq, %jit3A_765, %eq3A_766 : i32
      %jit3A_768 = arith.constant 1 : i32
      %select_n3A_769 = arith.select %eq3A_767, %jit3A_768, %jit3A_765 : i32
      %rem3A_770 = arith.remsi %add3A_764, %select_n3A_769 : i32
      %ne3A_771 = arith.constant 0 : i32
      %ne3A_772 = arith.cmpi ne, %rem3A_770, %ne3A_771 : i32
      %lt3A_773 = arith.constant 0 : i32
      %lt3A_774 = arith.cmpi slt, %rem3A_770, %lt3A_773 : i32
      %lt3A_775 = arith.constant 0 : i32
      %lt3A_776 = arith.cmpi slt, %select_n3A_769, %lt3A_775 : i32
      %ne3A_777 = arith.xori %lt3A_774, %lt3A_776 : i1
      %and3A_778 = arith.andi %ne3A_777, %ne3A_772 : i1
      %add3A_779 = arith.addi %rem3A_770, %select_n3A_769 : i32
      %select_n3A_780 = arith.select %and3A_778, %add3A_779, %rem3A_770 : i32
      %get3A_781 = arith.index_cast %select_n3A_743 : i32 to index
      %get3A_782 = arith.index_cast %mul3A_761 : i32 to index
      %get3A_783 = tpu.vector_load %arg10[%get3A_781, %get3A_782] {strides = array<i32>} : memref<8x1024xf32, #tpu.memory_space<vmem>>, vector<16xf32>,
      %get3A_784 = arith.index_cast %select_n3A_780 : i32 to index
      %get3A_785 = arith.index_cast %mul3A_761 : i32 to index
      %get3A_786 = tpu.vector_load %arg9[%get3A_784, %get3A_785] {strides = array<i32>} : memref<6x1024xf32, #tpu.memory_space<vmem>>, vector<16xf32>,
      %add3A_787 = arith.addf %get3A_783, %get3A_786 : vector<16xf32>
      %swap3A_788 = arith.index_cast %select_n3A_743 : i32 to index
      %swap3A_789 = arith.index_cast %mul3A_761 : i32 to index
      %swap3A_790 = tpu.vector_load %arg10[%swap3A_788, %swap3A_789] {strides = array<i32>} : memref<8x1024xf32, #tpu.memory_space<vmem>>, vector<16xf32>,
      tpu.vector_store %arg10[%swap3A_788, %swap3A_789], %add3A_787 {strides = array<i32>} : memref<8x1024xf32, #tpu.memory_space<vmem>>, vector<16xf32>,
      %scan3A_791 = arith.constant 0 : i32
      %scan3A_792 = arith.constant 5 : i32
      %scan3A_793 = arith.addi %scan3A_423, %scan3A_792 : i32
      %jit3A_794 = arith.constant 64 : i32
      %div3A_795 = arith.divsi %scan3A_793, %jit3A_794 : i32
      %sign3A_796 = arith.constant 0 : i32
      %sign3A_797 = arith.cmpi sgt, %scan3A_793, %sign3A_796 : i32
      %sign3A_798 = arith.extui %sign3A_797 : i1 to i32
      %sign3A_799 = arith.constant 0 : i32
      %sign3A_800 = arith.cmpi slt, %scan3A_793, %sign3A_799 : i32
      %sign3A_801 = arith.extui %sign3A_800 : i1 to i32
      %sign3A_802 = arith.subi %sign3A_798, %sign3A_801 : i32
      %sign3A_803 = arith.constant 0 : i32
      %sign3A_804 = arith.cmpi sgt, %jit3A_794, %sign3A_803 : i32
      %sign3A_805 = arith.extui %sign3A_804 : i1 to i32
      %sign3A_806 = arith.constant 0 : i32
      %sign3A_807 = arith.cmpi slt, %jit3A_794, %sign3A_806 : i32
      %sign3A_808 = arith.extui %sign3A_807 : i1 to i32
      %sign3A_809 = arith.subi %sign3A_805, %sign3A_808 : i32
      %ne3A_810 = arith.cmpi ne, %sign3A_802, %sign3A_809 : i32
      %rem3A_811 = arith.remsi %scan3A_793, %jit3A_794 : i32
      %ne3A_812 = arith.constant 0 : i32
      %ne3A_813 = arith.cmpi ne, %rem3A_811, %ne3A_812 : i32
      %and3A_814 = arith.andi %ne3A_810, %ne3A_813 : i1
      %sub3A_815 = arith.constant 1 : i32
      %sub3A_816 = arith.subi %div3A_795, %sub3A_815 : i32
      %select_n3A_817 = arith.select %and3A_814, %sub3A_816, %div3A_795 : i32
      %jit3A_818 = arith.constant 64 : i32
      %eq3A_819 = arith.constant 0 : i32
      %eq3A_820 = arith.cmpi eq, %jit3A_818, %eq3A_819 : i32
      %jit3A_821 = arith.constant 1 : i32
      %select_n3A_822 = arith.select %eq3A_820, %jit3A_821, %jit3A_818 : i32
      %rem3A_823 = arith.remsi %scan3A_793, %select_n3A_822 : i32
      %ne3A_824 = arith.constant 0 : i32
      %ne3A_825 = arith.cmpi ne, %rem3A_823, %ne3A_824 : i32
      %lt3A_826 = arith.constant 0 : i32
      %lt3A_827 = arith.cmpi slt, %rem3A_823, %lt3A_826 : i32
      %lt3A_828 = arith.constant 0 : i32
      %lt3A_829 = arith.cmpi slt, %select_n3A_822, %lt3A_828 : i32
      %ne3A_830 = arith.xori %lt3A_827, %lt3A_829 : i1
      %and3A_831 = arith.andi %ne3A_830, %ne3A_825 : i1
      %add3A_832 = arith.addi %rem3A_823, %select_n3A_822 : i32
      %select_n3A_833 = arith.select %and3A_831, %add3A_832, %rem3A_823 : i32
      %mul3A_834 = arith.constant 16 : i32
      %mul3A_835 = arith.muli %select_n3A_833, %mul3A_834 : i32
      %mul3A_836 = arith.constant 9 : i32
      %mul3A_837 = arith.muli %select_n3A_30, %mul3A_836 : i32
      %add3A_838 = arith.addi %mul3A_837, %select_n3A_817 : i32
      %jit3A_839 = arith.constant 6 : i32
      %eq3A_840 = arith.constant 0 : i32
      %eq3A_841 = arith.cmpi eq, %jit3A_839, %eq3A_840 : i32
      %jit3A_842 = arith.constant 1 : i32
      %select_n3A_843 = arith.select %eq3A_841, %jit3A_842, %jit3A_839 : i32
      %rem3A_844 = arith.remsi %add3A_838, %select_n3A_843 : i32
      %ne3A_845 = arith.constant 0 : i32
      %ne3A_846 = arith.cmpi ne, %rem3A_844, %ne3A_845 : i32
      %lt3A_847 = arith.constant 0 : i32
      %lt3A_848 = arith.cmpi slt, %rem3A_844, %lt3A_847 : i32
      %lt3A_849 = arith.constant 0 : i32
      %lt3A_850 = arith.cmpi slt, %select_n3A_843, %lt3A_849 : i32
      %ne3A_851 = arith.xori %lt3A_848, %lt3A_850 : i1
      %and3A_852 = arith.andi %ne3A_851, %ne3A_846 : i1
      %add3A_853 = arith.addi %rem3A_844, %select_n3A_843 : i32
      %select_n3A_854 = arith.select %and3A_852, %add3A_853, %rem3A_844 : i32
      %get3A_855 = arith.index_cast %select_n3A_817 : i32 to index
      %get3A_856 = arith.index_cast %mul3A_835 : i32 to index
      %get3A_857 = tpu.vector_load %arg10[%get3A_855, %get3A_856] {strides = array<i32>} : memref<8x1024xf32, #tpu.memory_space<vmem>>, vector<16xf32>,
      %get3A_858 = arith.index_cast %select_n3A_854 : i32 to index
      %get3A_859 = arith.index_cast %mul3A_835 : i32 to index
      %get3A_860 = tpu.vector_load %arg9[%get3A_858, %get3A_859] {strides = array<i32>} : memref<6x1024xf32, #tpu.memory_space<vmem>>, vector<16xf32>,
      %add3A_861 = arith.addf %get3A_857, %get3A_860 : vector<16xf32>
      %swap3A_862 = arith.index_cast %select_n3A_817 : i32 to index
      %swap3A_863 = arith.index_cast %mul3A_835 : i32 to index
      %swap3A_864 = tpu.vector_load %arg10[%swap3A_862, %swap3A_863] {strides = array<i32>} : memref<8x1024xf32, #tpu.memory_space<vmem>>, vector<16xf32>,
      tpu.vector_store %arg10[%swap3A_862, %swap3A_863], %add3A_861 {strides = array<i32>} : memref<8x1024xf32, #tpu.memory_space<vmem>>, vector<16xf32>,
      %scan3A_865 = arith.constant 0 : i32
      %scan3A_866 = arith.constant 6 : i32
      %scan3A_867 = arith.addi %scan3A_423, %scan3A_866 : i32
      %jit3A_868 = arith.constant 64 : i32
      %div3A_869 = arith.divsi %scan3A_867, %jit3A_868 : i32
      %sign3A_870 = arith.constant 0 : i32
      %sign3A_871 = arith.cmpi sgt, %scan3A_867, %sign3A_870 : i32
      %sign3A_872 = arith.extui %sign3A_871 : i1 to i32
      %sign3A_873 = arith.constant 0 : i32
      %sign3A_874 = arith.cmpi slt, %scan3A_867, %sign3A_873 : i32
      %sign3A_875 = arith.extui %sign3A_874 : i1 to i32
      %sign3A_876 = arith.subi %sign3A_872, %sign3A_875 : i32
      %sign3A_877 = arith.constant 0 : i32
      %sign3A_878 = arith.cmpi sgt, %jit3A_868, %sign3A_877 : i32
      %sign3A_879 = arith.extui %sign3A_878 : i1 to i32
      %sign3A_880 = arith.constant 0 : i32
      %sign3A_881 = arith.cmpi slt, %jit3A_868, %sign3A_880 : i32
      %sign3A_882 = arith.extui %sign3A_881 : i1 to i32
      %sign3A_883 = arith.subi %sign3A_879, %sign3A_882 : i32
      %ne3A_884 = arith.cmpi ne, %sign3A_876, %sign3A_883 : i32
      %rem3A_885 = arith.remsi %scan3A_867, %jit3A_868 : i32
      %ne3A_886 = arith.constant 0 : i32
      %ne3A_887 = arith.cmpi ne, %rem3A_885, %ne3A_886 : i32
      %and3A_888 = arith.andi %ne3A_884, %ne3A_887 : i1
      %sub3A_889 = arith.constant 1 : i32
      %sub3A_890 = arith.subi %div3A_869, %sub3A_889 : i32
      %select_n3A_891 = arith.select %and3A_888, %sub3A_890, %div3A_869 : i32
      %jit3A_892 = arith.constant 64 : i32
      %eq3A_893 = arith.constant 0 : i32
      %eq3A_894 = arith.cmpi eq, %jit3A_892, %eq3A_893 : i32
      %jit3A_895 = arith.constant 1 : i32
      %select_n3A_896 = arith.select %eq3A_894, %jit3A_895, %jit3A_892 : i32
      %rem3A_897 = arith.remsi %scan3A_867, %select_n3A_896 : i32
      %ne3A_898 = arith.constant 0 : i32
      %ne3A_899 = arith.cmpi ne, %rem3A_897, %ne3A_898 : i32
      %lt3A_900 = arith.constant 0 : i32
      %lt3A_901 = arith.cmpi slt, %rem3A_897, %lt3A_900 : i32
      %lt3A_902 = arith.constant 0 : i32
      %lt3A_903 = arith.cmpi slt, %select_n3A_896, %lt3A_902 : i32
      %ne3A_904 = arith.xori %lt3A_901, %lt3A_903 : i1
      %and3A_905 = arith.andi %ne3A_904, %ne3A_899 : i1
      %add3A_906 = arith.addi %rem3A_897, %select_n3A_896 : i32
      %select_n3A_907 = arith.select %and3A_905, %add3A_906, %rem3A_897 : i32
      %mul3A_908 = arith.constant 16 : i32
      %mul3A_909 = arith.muli %select_n3A_907, %mul3A_908 : i32
      %mul3A_910 = arith.constant 9 : i32
      %mul3A_911 = arith.muli %select_n3A_30, %mul3A_910 : i32
      %add3A_912 = arith.addi %mul3A_911, %select_n3A_891 : i32
      %jit3A_913 = arith.constant 6 : i32
      %eq3A_914 = arith.constant 0 : i32
      %eq3A_915 = arith.cmpi eq, %jit3A_913, %eq3A_914 : i32
      %jit3A_916 = arith.constant 1 : i32
      %select_n3A_917 = arith.select %eq3A_915, %jit3A_916, %jit3A_913 : i32
      %rem3A_918 = arith.remsi %add3A_912, %select_n3A_917 : i32
      %ne3A_919 = arith.constant 0 : i32
      %ne3A_920 = arith.cmpi ne, %rem3A_918, %ne3A_919 : i32
      %lt3A_921 = arith.constant 0 : i32
      %lt3A_922 = arith.cmpi slt, %rem3A_918, %lt3A_921 : i32
      %lt3A_923 = arith.constant 0 : i32
      %lt3A_924 = arith.cmpi slt, %select_n3A_917, %lt3A_923 : i32
      %ne3A_925 = arith.xori %lt3A_922, %lt3A_924 : i1
      %and3A_926 = arith.andi %ne3A_925, %ne3A_920 : i1
      %add3A_927 = arith.addi %rem3A_918, %select_n3A_917 : i32
      %select_n3A_928 = arith.select %and3A_926, %add3A_927, %rem3A_918 : i32
      %get3A_929 = arith.index_cast %select_n3A_891 : i32 to index
      %get3A_930 = arith.index_cast %mul3A_909 : i32 to index
      %get3A_931 = tpu.vector_load %arg10[%get3A_929, %get3A_930] {strides = array<i32>} : memref<8x1024xf32, #tpu.memory_space<vmem>>, vector<16xf32>,
      %get3A_932 = arith.index_cast %select_n3A_928 : i32 to index
      %get3A_933 = arith.index_cast %mul3A_909 : i32 to index
      %get3A_934 = tpu.vector_load %arg9[%get3A_932, %get3A_933] {strides = array<i32>} : memref<6x1024xf32, #tpu.memory_space<vmem>>, vector<16xf32>,
      %add3A_935 = arith.addf %get3A_931, %get3A_934 : vector<16xf32>
      %swap3A_936 = arith.index_cast %select_n3A_891 : i32 to index
      %swap3A_937 = arith.index_cast %mul3A_909 : i32 to index
      %swap3A_938 = tpu.vector_load %arg10[%swap3A_936, %swap3A_937] {strides = array<i32>} : memref<8x1024xf32, #tpu.memory_space<vmem>>, vector<16xf32>,
      tpu.vector_store %arg10[%swap3A_936, %swap3A_937], %add3A_935 {strides = array<i32>} : memref<8x1024xf32, #tpu.memory_space<vmem>>, vector<16xf32>,
      %scan3A_939 = arith.constant 0 : i32
      %scan3A_940 = arith.constant 7 : i32
      %scan3A_941 = arith.addi %scan3A_423, %scan3A_940 : i32
      %jit3A_942 = arith.constant 64 : i32
      %div3A_943 = arith.divsi %scan3A_941, %jit3A_942 : i32
      %sign3A_944 = arith.constant 0 : i32
      %sign3A_945 = arith.cmpi sgt, %scan3A_941, %sign3A_944 : i32
      %sign3A_946 = arith.extui %sign3A_945 : i1 to i32
      %sign3A_947 = arith.constant 0 : i32
      %sign3A_948 = arith.cmpi slt, %scan3A_941, %sign3A_947 : i32
      %sign3A_949 = arith.extui %sign3A_948 : i1 to i32
      %sign3A_950 = arith.subi %sign3A_946, %sign3A_949 : i32
      %sign3A_951 = arith.constant 0 : i32
      %sign3A_952 = arith.cmpi sgt, %jit3A_942, %sign3A_951 : i32
      %sign3A_953 = arith.extui %sign3A_952 : i1 to i32
      %sign3A_954 = arith.constant 0 : i32
      %sign3A_955 = arith.cmpi slt, %jit3A_942, %sign3A_954 : i32
      %sign3A_956 = arith.extui %sign3A_955 : i1 to i32
      %sign3A_957 = arith.subi %sign3A_953, %sign3A_956 : i32
      %ne3A_958 = arith.cmpi ne, %sign3A_950, %sign3A_957 : i32
      %rem3A_959 = arith.remsi %scan3A_941, %jit3A_942 : i32
      %ne3A_960 = arith.constant 0 : i32
      %ne3A_961 = arith.cmpi ne, %rem3A_959, %ne3A_960 : i32
      %and3A_962 = arith.andi %ne3A_958, %ne3A_961 : i1
      %sub3A_963 = arith.constant 1 : i32
      %sub3A_964 = arith.subi %div3A_943, %sub3A_963 : i32
      %select_n3A_965 = arith.select %and3A_962, %sub3A_964, %div3A_943 : i32
      %jit3A_966 = arith.constant 64 : i32
      %eq3A_967 = arith.constant 0 : i32
      %eq3A_968 = arith.cmpi eq, %jit3A_966, %eq3A_967 : i32
      %jit3A_969 = arith.constant 1 : i32
      %select_n3A_970 = arith.select %eq3A_968, %jit3A_969, %jit3A_966 : i32
      %rem3A_971 = arith.remsi %scan3A_941, %select_n3A_970 : i32
      %ne3A_972 = arith.constant 0 : i32
      %ne3A_973 = arith.cmpi ne, %rem3A_971, %ne3A_972 : i32
      %lt3A_974 = arith.constant 0 : i32
      %lt3A_975 = arith.cmpi slt, %rem3A_971, %lt3A_974 : i32
      %lt3A_976 = arith.constant 0 : i32
      %lt3A_977 = arith.cmpi slt, %select_n3A_970, %lt3A_976 : i32
      %ne3A_978 = arith.xori %lt3A_975, %lt3A_977 : i1
      %and3A_979 = arith.andi %ne3A_978, %ne3A_973 : i1
      %add3A_980 = arith.addi %rem3A_971, %select_n3A_970 : i32
      %select_n3A_981 = arith.select %and3A_979, %add3A_980, %rem3A_971 : i32
      %mul3A_982 = arith.constant 16 : i32
      %mul3A_983 = arith.muli %select_n3A_981, %mul3A_982 : i32
      %mul3A_984 = arith.constant 9 : i32
      %mul3A_985 = arith.muli %select_n3A_30, %mul3A_984 : i32
      %add3A_986 = arith.addi %mul3A_985, %select_n3A_965 : i32
      %jit3A_987 = arith.constant 6 : i32
      %eq3A_988 = arith.constant 0 : i32
      %eq3A_989 = arith.cmpi eq, %jit3A_987, %eq3A_988 : i32
      %jit3A_990 = arith.constant 1 : i32
      %select_n3A_991 = arith.select %eq3A_989, %jit3A_990, %jit3A_987 : i32
      %rem3A_992 = arith.remsi %add3A_986, %select_n3A_991 : i32
      %ne3A_993 = arith.constant 0 : i32
      %ne3A_994 = arith.cmpi ne, %rem3A_992, %ne3A_993 : i32
      %lt3A_995 = arith.constant 0 : i32
      %lt3A_996 = arith.cmpi slt, %rem3A_992, %lt3A_995 : i32
      %lt3A_997 = arith.constant 0 : i32
      %lt3A_998 = arith.cmpi slt, %select_n3A_991, %lt3A_997 : i32
      %ne3A_999 = arith.xori %lt3A_996, %lt3A_998 : i1
      %and3A_1000 = arith.andi %ne3A_999, %ne3A_994 : i1
      %add3A_1001 = arith.addi %rem3A_992, %select_n3A_991 : i32
      %select_n3A_1002 = arith.select %and3A_1000, %add3A_1001, %rem3A_992 : i32
      %get3A_1003 = arith.index_cast %select_n3A_965 : i32 to index
      %get3A_1004 = arith.index_cast %mul3A_983 : i32 to index
      %get3A_1005 = tpu.vector_load %arg10[%get3A_1003, %get3A_1004] {strides = array<i32>} : memref<8x1024xf32, #tpu.memory_space<vmem>>, vector<16xf32>,
      %get3A_1006 = arith.index_cast %select_n3A_1002 : i32 to index
      %get3A_1007 = arith.index_cast %mul3A_983 : i32 to index
      %get3A_1008 = tpu.vector_load %arg9[%get3A_1006, %get3A_1007] {strides = array<i32>} : memref<6x1024xf32, #tpu.memory_space<vmem>>, vector<16xf32>,
      %add3A_1009 = arith.addf %get3A_1005, %get3A_1008 : vector<16xf32>
      %swap3A_1010 = arith.index_cast %select_n3A_965 : i32 to index
      %swap3A_1011 = arith.index_cast %mul3A_983 : i32 to index
      %swap3A_1012 = tpu.vector_load %arg10[%swap3A_1010, %swap3A_1011] {strides = array<i32>} : memref<8x1024xf32, #tpu.memory_space<vmem>>, vector<16xf32>,
      tpu.vector_store %arg10[%swap3A_1010, %swap3A_1011], %add3A_1009 {strides = array<i32>} : memref<8x1024xf32, #tpu.memory_space<vmem>>, vector<16xf32>,
      %scan3A_1013 = arith.constant 0 : i32
      scf.yield %scan3A_1013 : i32
    }
    %scan3A_150 = arith.constant 512 : i32
    %mul3A_151 = arith.constant 9 : i32
    %mul3A_152 = arith.muli %select_n3A_30, %mul3A_151 : i32
    %add3A_153 = arith.constant 0 : i32
    %add3A_154 = arith.addi %mul3A_152, %add3A_153 : i32
    %dma_start3A_155 = arith.constant 0 : i32
    %dma_start3A_156 = arith.constant 0 : i32
    %dma_start3A_157 = tpu.memref_slice %arg10[%dma_start3A_155, %dma_start3A_156] : memref<8x1024xf32, #tpu.memory_space<vmem>> -> memref<1x1024xf32, #tpu.memory_space<vmem>>
    %dma_start3A_158 = arith.constant 0 : i32
    %dma_start3A_159 = tpu.memref_slice %arg6[%add3A_154, %select_n3A, %dma_start3A_158] : memref<37x8x1024xf32, #tpu.memory_space<hbm>> -> memref<1x1x1024xf32, #tpu.memory_space<hbm>>
    %dma_start3A_160 = tpu.memref_squeeze %dma_start3A_159 : memref<1x1x1024xf32, #tpu.memory_space<hbm>> -> memref<1x1024xf32, #tpu.memory_space<hbm>>
    %dma_start3A_161 = arith.constant 0 : i32
    %dma_start3A_162 = tpu.memref_slice %arg6[%add3A_154, %select_n3A, %dma_start3A_161] : memref<37x8x1024xf32, #tpu.memory_space<hbm>> -> memref<1x1x1024xf32, #tpu.memory_space<hbm>>
    %dma_start3A_163 = tpu.memref_squeeze %dma_start3A_162 : memref<1x1x1024xf32, #tpu.memory_space<hbm>> -> memref<1x1024xf32, #tpu.memory_space<hbm>>
    %dma_start3A_164 = arith.constant 0 : i32
    %dma_start3A_165 = arith.constant 0 : i32
    %dma_start3A_166 = tpu.memref_slice %arg10[%dma_start3A_164, %dma_start3A_165] : memref<8x1024xf32, #tpu.memory_space<vmem>> -> memref<1x1024xf32, #tpu.memory_space<vmem>>
    tpu.enqueue_dma source(%dma_start3A_166 : memref<1x1024xf32, #tpu.memory_space<vmem>>) target(%dma_start3A_163 : memref<1x1024xf32, #tpu.memory_space<hbm>>) target_semaphore(%arg19 : memref<!tpu.dma_semaphore, #tpu.memory_space<semaphore_mem>>)
    %mul3A_167 = arith.constant 9 : i32
    %mul3A_168 = arith.muli %select_n3A_30, %mul3A_167 : i32
    %add3A_169 = arith.constant 1 : i32
    %add3A_170 = arith.addi %mul3A_168, %add3A_169 : i32
    %dma_start3A_171 = arith.constant 1 : i32
    %dma_start3A_172 = arith.constant 0 : i32
    %dma_start3A_173 = tpu.memref_slice %arg10[%dma_start3A_171, %dma_start3A_172] : memref<8x1024xf32, #tpu.memory_space<vmem>> -> memref<1x1024xf32, #tpu.memory_space<vmem>>
    %dma_start3A_174 = arith.constant 0 : i32
    %dma_start3A_175 = tpu.memref_slice %arg6[%add3A_170, %select_n3A, %dma_start3A_174] : memref<37x8x1024xf32, #tpu.memory_space<hbm>> -> memref<1x1x1024xf32, #tpu.memory_space<hbm>>
    %dma_start3A_176 = tpu.memref_squeeze %dma_start3A_175 : memref<1x1x1024xf32, #tpu.memory_space<hbm>> -> memref<1x1024xf32, #tpu.memory_space<hbm>>
    %dma_start3A_177 = arith.constant 0 : i32
    %dma_start3A_178 = tpu.memref_slice %arg6[%add3A_170, %select_n3A, %dma_start3A_177] : memref<37x8x1024xf32, #tpu.memory_space<hbm>> -> memref<1x1x1024xf32, #tpu.memory_space<hbm>>
    %dma_start3A_179 = tpu.memref_squeeze %dma_start3A_178 : memref<1x1x1024xf32, #tpu.memory_space<hbm>> -> memref<1x1024xf32, #tpu.memory_space<hbm>>
    %dma_start3A_180 = arith.constant 1 : i32
    %dma_start3A_181 = arith.constant 0 : i32
    %dma_start3A_182 = tpu.memref_slice %arg10[%dma_start3A_180, %dma_start3A_181] : memref<8x1024xf32, #tpu.memory_space<vmem>> -> memref<1x1024xf32, #tpu.memory_space<vmem>>
    tpu.enqueue_dma source(%dma_start3A_182 : memref<1x1024xf32, #tpu.memory_space<vmem>>) target(%dma_start3A_179 : memref<1x1024xf32, #tpu.memory_space<hbm>>) target_semaphore(%arg19 : memref<!tpu.dma_semaphore, #tpu.memory_space<semaphore_mem>>)
    %mul3A_183 = arith.constant 9 : i32
    %mul3A_184 = arith.muli %select_n3A_30, %mul3A_183 : i32
    %add3A_185 = arith.constant 2 : i32
    %add3A_186 = arith.addi %mul3A_184, %add3A_185 : i32
    %dma_start3A_187 = arith.constant 2 : i32
    %dma_start3A_188 = arith.constant 0 : i32
    %dma_start3A_189 = tpu.memref_slice %arg10[%dma_start3A_187, %dma_start3A_188] : memref<8x1024xf32, #tpu.memory_space<vmem>> -> memref<1x1024xf32, #tpu.memory_space<vmem>>
    %dma_start3A_190 = arith.constant 0 : i32
    %dma_start3A_191 = tpu.memref_slice %arg6[%add3A_186, %select_n3A, %dma_start3A_190] : memref<37x8x1024xf32, #tpu.memory_space<hbm>> -> memref<1x1x1024xf32, #tpu.memory_space<hbm>>
    %dma_start3A_192 = tpu.memref_squeeze %dma_start3A_191 : memref<1x1x1024xf32, #tpu.memory_space<hbm>> -> memref<1x1024xf32, #tpu.memory_space<hbm>>
    %dma_start3A_193 = arith.constant 0 : i32
    %dma_start3A_194 = tpu.memref_slice %arg6[%add3A_186, %select_n3A, %dma_start3A_193] : memref<37x8x1024xf32, #tpu.memory_space<hbm>> -> memref<1x1x1024xf32, #tpu.memory_space<hbm>>
    %dma_start3A_195 = tpu.memref_squeeze %dma_start3A_194 : memref<1x1x1024xf32, #tpu.memory_space<hbm>> -> memref<1x1024xf32, #tpu.memory_space<hbm>>
    %dma_start3A_196 = arith.constant 2 : i32
    %dma_start3A_197 = arith.constant 0 : i32
    %dma_start3A_198 = tpu.memref_slice %arg10[%dma_start3A_196, %dma_start3A_197] : memref<8x1024xf32, #tpu.memory_space<vmem>> -> memref<1x1024xf32, #tpu.memory_space<vmem>>
    tpu.enqueue_dma source(%dma_start3A_198 : memref<1x1024xf32, #tpu.memory_space<vmem>>) target(%dma_start3A_195 : memref<1x1024xf32, #tpu.memory_space<hbm>>) target_semaphore(%arg19 : memref<!tpu.dma_semaphore, #tpu.memory_space<semaphore_mem>>)
    %mul3A_199 = arith.constant 9 : i32
    %mul3A_200 = arith.muli %select_n3A_30, %mul3A_199 : i32
    %add3A_201 = arith.constant 3 : i32
    %add3A_202 = arith.addi %mul3A_200, %add3A_201 : i32
    %dma_start3A_203 = arith.constant 3 : i32
    %dma_start3A_204 = arith.constant 0 : i32
    %dma_start3A_205 = tpu.memref_slice %arg10[%dma_start3A_203, %dma_start3A_204] : memref<8x1024xf32, #tpu.memory_space<vmem>> -> memref<1x1024xf32, #tpu.memory_space<vmem>>
    %dma_start3A_206 = arith.constant 0 : i32
    %dma_start3A_207 = tpu.memref_slice %arg6[%add3A_202, %select_n3A, %dma_start3A_206] : memref<37x8x1024xf32, #tpu.memory_space<hbm>> -> memref<1x1x1024xf32, #tpu.memory_space<hbm>>
    %dma_start3A_208 = tpu.memref_squeeze %dma_start3A_207 : memref<1x1x1024xf32, #tpu.memory_space<hbm>> -> memref<1x1024xf32, #tpu.memory_space<hbm>>
    %dma_start3A_209 = arith.constant 0 : i32
    %dma_start3A_210 = tpu.memref_slice %arg6[%add3A_202, %select_n3A, %dma_start3A_209] : memref<37x8x1024xf32, #tpu.memory_space<hbm>> -> memref<1x1x1024xf32, #tpu.memory_space<hbm>>
    %dma_start3A_211 = tpu.memref_squeeze %dma_start3A_210 : memref<1x1x1024xf32, #tpu.memory_space<hbm>> -> memref<1x1024xf32, #tpu.memory_space<hbm>>
    %dma_start3A_212 = arith.constant 3 : i32
    %dma_start3A_213 = arith.constant 0 : i32
    %dma_start3A_214 = tpu.memref_slice %arg10[%dma_start3A_212, %dma_start3A_213] : memref<8x1024xf32, #tpu.memory_space<vmem>> -> memref<1x1024xf32, #tpu.memory_space<vmem>>
    tpu.enqueue_dma source(%dma_start3A_214 : memref<1x1024xf32, #tpu.memory_space<vmem>>) target(%dma_start3A_211 : memref<1x1024xf32, #tpu.memory_space<hbm>>) target_semaphore(%arg19 : memref<!tpu.dma_semaphore, #tpu.memory_space<semaphore_mem>>)
    %mul3A_215 = arith.constant 9 : i32
    %mul3A_216 = arith.muli %select_n3A_30, %mul3A_215 : i32
    %add3A_217 = arith.constant 4 : i32
    %add3A_218 = arith.addi %mul3A_216, %add3A_217 : i32
    %dma_start3A_219 = arith.constant 4 : i32
    %dma_start3A_220 = arith.constant 0 : i32
    %dma_start3A_221 = tpu.memref_slice %arg10[%dma_start3A_219, %dma_start3A_220] : memref<8x1024xf32, #tpu.memory_space<vmem>> -> memref<1x1024xf32, #tpu.memory_space<vmem>>
    %dma_start3A_222 = arith.constant 0 : i32
    %dma_start3A_223 = tpu.memref_slice %arg6[%add3A_218, %select_n3A, %dma_start3A_222] : memref<37x8x1024xf32, #tpu.memory_space<hbm>> -> memref<1x1x1024xf32, #tpu.memory_space<hbm>>
    %dma_start3A_224 = tpu.memref_squeeze %dma_start3A_223 : memref<1x1x1024xf32, #tpu.memory_space<hbm>> -> memref<1x1024xf32, #tpu.memory_space<hbm>>
    %dma_start3A_225 = arith.constant 0 : i32
    %dma_start3A_226 = tpu.memref_slice %arg6[%add3A_218, %select_n3A, %dma_start3A_225] : memref<37x8x1024xf32, #tpu.memory_space<hbm>> -> memref<1x1x1024xf32, #tpu.memory_space<hbm>>
    %dma_start3A_227 = tpu.memref_squeeze %dma_start3A_226 : memref<1x1x1024xf32, #tpu.memory_space<hbm>> -> memref<1x1024xf32, #tpu.memory_space<hbm>>
    %dma_start3A_228 = arith.constant 4 : i32
    %dma_start3A_229 = arith.constant 0 : i32
    %dma_start3A_230 = tpu.memref_slice %arg10[%dma_start3A_228, %dma_start3A_229] : memref<8x1024xf32, #tpu.memory_space<vmem>> -> memref<1x1024xf32, #tpu.memory_space<vmem>>
    tpu.enqueue_dma source(%dma_start3A_230 : memref<1x1024xf32, #tpu.memory_space<vmem>>) target(%dma_start3A_227 : memref<1x1024xf32, #tpu.memory_space<hbm>>) target_semaphore(%arg19 : memref<!tpu.dma_semaphore, #tpu.memory_space<semaphore_mem>>)
    %mul3A_231 = arith.constant 9 : i32
    %mul3A_232 = arith.muli %select_n3A_30, %mul3A_231 : i32
    %add3A_233 = arith.constant 5 : i32
    %add3A_234 = arith.addi %mul3A_232, %add3A_233 : i32
    %dma_start3A_235 = arith.constant 5 : i32
    %dma_start3A_236 = arith.constant 0 : i32
    %dma_start3A_237 = tpu.memref_slice %arg10[%dma_start3A_235, %dma_start3A_236] : memref<8x1024xf32, #tpu.memory_space<vmem>> -> memref<1x1024xf32, #tpu.memory_space<vmem>>
    %dma_start3A_238 = arith.constant 0 : i32
    %dma_start3A_239 = tpu.memref_slice %arg6[%add3A_234, %select_n3A, %dma_start3A_238] : memref<37x8x1024xf32, #tpu.memory_space<hbm>> -> memref<1x1x1024xf32, #tpu.memory_space<hbm>>
    %dma_start3A_240 = tpu.memref_squeeze %dma_start3A_239 : memref<1x1x1024xf32, #tpu.memory_space<hbm>> -> memref<1x1024xf32, #tpu.memory_space<hbm>>
    %dma_start3A_241 = arith.constant 0 : i32
    %dma_start3A_242 = tpu.memref_slice %arg6[%add3A_234, %select_n3A, %dma_start3A_241] : memref<37x8x1024xf32, #tpu.memory_space<hbm>> -> memref<1x1x1024xf32, #tpu.memory_space<hbm>>
    %dma_start3A_243 = tpu.memref_squeeze %dma_start3A_242 : memref<1x1x1024xf32, #tpu.memory_space<hbm>> -> memref<1x1024xf32, #tpu.memory_space<hbm>>
    %dma_start3A_244 = arith.constant 5 : i32
    %dma_start3A_245 = arith.constant 0 : i32
    %dma_start3A_246 = tpu.memref_slice %arg10[%dma_start3A_244, %dma_start3A_245] : memref<8x1024xf32, #tpu.memory_space<vmem>> -> memref<1x1024xf32, #tpu.memory_space<vmem>>
    tpu.enqueue_dma source(%dma_start3A_246 : memref<1x1024xf32, #tpu.memory_space<vmem>>) target(%dma_start3A_243 : memref<1x1024xf32, #tpu.memory_space<hbm>>) target_semaphore(%arg19 : memref<!tpu.dma_semaphore, #tpu.memory_space<semaphore_mem>>)
    %mul3A_247 = arith.constant 9 : i32
    %mul3A_248 = arith.muli %select_n3A_30, %mul3A_247 : i32
    %add3A_249 = arith.constant 6 : i32
    %add3A_250 = arith.addi %mul3A_248, %add3A_249 : i32
    %dma_start3A_251 = arith.constant 6 : i32
    %dma_start3A_252 = arith.constant 0 : i32
    %dma_start3A_253 = tpu.memref_slice %arg10[%dma_start3A_251, %dma_start3A_252] : memref<8x1024xf32, #tpu.memory_space<vmem>> -> memref<1x1024xf32, #tpu.memory_space<vmem>>
    %dma_start3A_254 = arith.constant 0 : i32
    %dma_start3A_255 = tpu.memref_slice %arg6[%add3A_250, %select_n3A, %dma_start3A_254] : memref<37x8x1024xf32, #tpu.memory_space<hbm>> -> memref<1x1x1024xf32, #tpu.memory_space<hbm>>
    %dma_start3A_256 = tpu.memref_squeeze %dma_start3A_255 : memref<1x1x1024xf32, #tpu.memory_space<hbm>> -> memref<1x1024xf32, #tpu.memory_space<hbm>>
    %dma_start3A_257 = arith.constant 0 : i32
    %dma_start3A_258 = tpu.memref_slice %arg6[%add3A_250, %select_n3A, %dma_start3A_257] : memref<37x8x1024xf32, #tpu.memory_space<hbm>> -> memref<1x1x1024xf32, #tpu.memory_space<hbm>>
    %dma_start3A_259 = tpu.memref_squeeze %dma_start3A_258 : memref<1x1x1024xf32, #tpu.memory_space<hbm>> -> memref<1x1024xf32, #tpu.memory_space<hbm>>
    %dma_start3A_260 = arith.constant 6 : i32
    %dma_start3A_261 = arith.constant 0 : i32
    %dma_start3A_262 = tpu.memref_slice %arg10[%dma_start3A_260, %dma_start3A_261] : memref<8x1024xf32, #tpu.memory_space<vmem>> -> memref<1x1024xf32, #tpu.memory_space<vmem>>
    tpu.enqueue_dma source(%dma_start3A_262 : memref<1x1024xf32, #tpu.memory_space<vmem>>) target(%dma_start3A_259 : memref<1x1024xf32, #tpu.memory_space<hbm>>) target_semaphore(%arg19 : memref<!tpu.dma_semaphore, #tpu.memory_space<semaphore_mem>>)
    %mul3A_263 = arith.constant 9 : i32
    %mul3A_264 = arith.muli %select_n3A_30, %mul3A_263 : i32
    %add3A_265 = arith.constant 7 : i32
    %add3A_266 = arith.addi %mul3A_264, %add3A_265 : i32
    %dma_start3A_267 = arith.constant 7 : i32
    %dma_start3A_268 = arith.constant 0 : i32
    %dma_start3A_269 = tpu.memref_slice %arg10[%dma_start3A_267, %dma_start3A_268] : memref<8x1024xf32, #tpu.memory_space<vmem>> -> memref<1x1024xf32, #tpu.memory_space<vmem>>
    %dma_start3A_270 = arith.constant 0 : i32
    %dma_start3A_271 = tpu.memref_slice %arg6[%add3A_266, %select_n3A, %dma_start3A_270] : memref<37x8x1024xf32, #tpu.memory_space<hbm>> -> memref<1x1x1024xf32, #tpu.memory_space<hbm>>
    %dma_start3A_272 = tpu.memref_squeeze %dma_start3A_271 : memref<1x1x1024xf32, #tpu.memory_space<hbm>> -> memref<1x1024xf32, #tpu.memory_space<hbm>>
    %dma_start3A_273 = arith.constant 0 : i32
    %dma_start3A_274 = tpu.memref_slice %arg6[%add3A_266, %select_n3A, %dma_start3A_273] : memref<37x8x1024xf32, #tpu.memory_space<hbm>> -> memref<1x1x1024xf32, #tpu.memory_space<hbm>>
    %dma_start3A_275 = tpu.memref_squeeze %dma_start3A_274 : memref<1x1x1024xf32, #tpu.memory_space<hbm>> -> memref<1x1024xf32, #tpu.memory_space<hbm>>
    %dma_start3A_276 = arith.constant 7 : i32
    %dma_start3A_277 = arith.constant 0 : i32
    %dma_start3A_278 = tpu.memref_slice %arg10[%dma_start3A_276, %dma_start3A_277] : memref<8x1024xf32, #tpu.memory_space<vmem>> -> memref<1x1024xf32, #tpu.memory_space<vmem>>
    tpu.enqueue_dma source(%dma_start3A_278 : memref<1x1024xf32, #tpu.memory_space<vmem>>) target(%dma_start3A_275 : memref<1x1024xf32, #tpu.memory_space<hbm>>) target_semaphore(%arg19 : memref<!tpu.dma_semaphore, #tpu.memory_space<semaphore_mem>>)
    %dma_wait3A_279 = arith.constant 8 : i32
    %dma_wait3A_280 = tpu.memref_slice %arg12[%dma_wait3A_279] : memref<16xi32, #tpu.memory_space<vmem>> -> memref<1xi32, #tpu.memory_space<vmem>>
    %dma_wait3A_281 = arith.constant 0 : i32
    %dma_wait3A_282 = arith.constant 0 : i32
    %dma_wait3A_283 = tpu.memref_slice %arg2[%dma_wait3A_281, %dma_wait3A_282] : memref<24576x1024xf32, #tpu.memory_space<hbm>> -> memref<24576x1024xf32, #tpu.memory_space<hbm>>
    tpu.wait_indirect_dma semaphore(%arg18 : memref<!tpu.dma_semaphore, #tpu.memory_space<semaphore_mem>>) src(%dma_wait3A_283 : memref<24576x1024xf32, #tpu.memory_space<hbm>>) dst(%arg11 : memref<1x1024xf32, #tpu.memory_space<vmem>>)
    %mul3A_284 = arith.constant 9 : i32
    %mul3A_285 = arith.muli %select_n3A_30, %mul3A_284 : i32
    %add3A_286 = arith.constant 8 : i32
    %add3A_287 = arith.addi %mul3A_285, %add3A_286 : i32
    %jit3A_288 = arith.constant 6 : i32
    %eq3A_289 = arith.constant 0 : i32
    %eq3A_290 = arith.cmpi eq, %jit3A_288, %eq3A_289 : i32
    %jit3A_291 = arith.constant 1 : i32
    %select_n3A_292 = arith.select %eq3A_290, %jit3A_291, %jit3A_288 : i32
    %rem3A_293 = arith.remsi %add3A_287, %select_n3A_292 : i32
    %ne3A_294 = arith.constant 0 : i32
    %ne3A_295 = arith.cmpi ne, %rem3A_293, %ne3A_294 : i32
    %lt3A_296 = arith.constant 0 : i32
    %lt3A_297 = arith.cmpi slt, %rem3A_293, %lt3A_296 : i32
    %lt3A_298 = arith.constant 0 : i32
    %lt3A_299 = arith.cmpi slt, %select_n3A_292, %lt3A_298 : i32
    %ne3A_300 = arith.xori %lt3A_297, %lt3A_299 : i1
    %and3A_301 = arith.andi %ne3A_300, %ne3A_295 : i1
    %add3A_302 = arith.addi %rem3A_293, %select_n3A_292 : i32
    %select_n3A_303 = arith.select %and3A_301, %add3A_302, %rem3A_293 : i32
    %scan3A_304 = arith.constant 0 : i32
    %scan3A_305 = arith.constant 0 : i32
    %scan3A_306 = arith.constant 64 : i32
    %scan3A_307 = arith.addi %scan3A_305, %scan3A_306 : i32
    %scan3A_308 = arith.constant 4 : i32
    %scan3A_309 = scf.for %scan3A_423 = %scan3A_305 to %scan3A_307 step %scan3A_308 iter_args(%scan3A_424 = %scan3A_304) -> (i32)  : i32 {
      %mul3A_425 = arith.constant 16 : i32
      %mul3A_426 = arith.muli %scan3A_423, %mul3A_425 : i32
      %get3A = arith.constant 0 : i32
      %get3A_427 = arith.index_cast %get3A : i32 to index
      %get3A_428 = arith.index_cast %mul3A_426 : i32 to index
      %get3A_429 = tpu.vector_load %arg11[%get3A_427, %get3A_428] {strides = array<i32>} : memref<1x1024xf32, #tpu.memory_space<vmem>>, vector<16xf32>,
      %get3A_430 = arith.index_cast %select_n3A_303 : i32 to index
      %get3A_431 = arith.index_cast %mul3A_426 : i32 to index
      %get3A_432 = tpu.vector_load %arg9[%get3A_430, %get3A_431] {strides = array<i32>} : memref<6x1024xf32, #tpu.memory_space<vmem>>, vector<16xf32>,
      %add3A_433 = arith.addf %get3A_429, %get3A_432 : vector<16xf32>
      %swap3A_434 = arith.constant 0 : i32
      %swap3A_435 = arith.index_cast %swap3A_434 : i32 to index
      %swap3A_436 = arith.index_cast %mul3A_426 : i32 to index
      %swap3A_437 = tpu.vector_load %arg11[%swap3A_435, %swap3A_436] {strides = array<i32>} : memref<1x1024xf32, #tpu.memory_space<vmem>>, vector<16xf32>,
      tpu.vector_store %arg11[%swap3A_435, %swap3A_436], %add3A_433 {strides = array<i32>} : memref<1x1024xf32, #tpu.memory_space<vmem>>, vector<16xf32>,
      %scan3A_438 = arith.constant 0 : i32
      %scan3A_439 = arith.constant 1 : i32
      %scan3A_440 = arith.addi %scan3A_423, %scan3A_439 : i32
      %mul3A_441 = arith.constant 16 : i32
      %mul3A_442 = arith.muli %scan3A_440, %mul3A_441 : i32
      %get3A_443 = arith.constant 0 : i32
      %get3A_444 = arith.index_cast %get3A_443 : i32 to index
      %get3A_445 = arith.index_cast %mul3A_442 : i32 to index
      %get3A_446 = tpu.vector_load %arg11[%get3A_444, %get3A_445] {strides = array<i32>} : memref<1x1024xf32, #tpu.memory_space<vmem>>, vector<16xf32>,
      %get3A_447 = arith.index_cast %select_n3A_303 : i32 to index
      %get3A_448 = arith.index_cast %mul3A_442 : i32 to index
      %get3A_449 = tpu.vector_load %arg9[%get3A_447, %get3A_448] {strides = array<i32>} : memref<6x1024xf32, #tpu.memory_space<vmem>>, vector<16xf32>,
      %add3A_450 = arith.addf %get3A_446, %get3A_449 : vector<16xf32>
      %swap3A_451 = arith.constant 0 : i32
      %swap3A_452 = arith.index_cast %swap3A_451 : i32 to index
      %swap3A_453 = arith.index_cast %mul3A_442 : i32 to index
      %swap3A_454 = tpu.vector_load %arg11[%swap3A_452, %swap3A_453] {strides = array<i32>} : memref<1x1024xf32, #tpu.memory_space<vmem>>, vector<16xf32>,
      tpu.vector_store %arg11[%swap3A_452, %swap3A_453], %add3A_450 {strides = array<i32>} : memref<1x1024xf32, #tpu.memory_space<vmem>>, vector<16xf32>,
      %scan3A_455 = arith.constant 0 : i32
      %scan3A_456 = arith.constant 2 : i32
      %scan3A_457 = arith.addi %scan3A_423, %scan3A_456 : i32
      %mul3A_458 = arith.constant 16 : i32
      %mul3A_459 = arith.muli %scan3A_457, %mul3A_458 : i32
      %get3A_460 = arith.constant 0 : i32
      %get3A_461 = arith.index_cast %get3A_460 : i32 to index
      %get3A_462 = arith.index_cast %mul3A_459 : i32 to index
      %get3A_463 = tpu.vector_load %arg11[%get3A_461, %get3A_462] {strides = array<i32>} : memref<1x1024xf32, #tpu.memory_space<vmem>>, vector<16xf32>,
      %get3A_464 = arith.index_cast %select_n3A_303 : i32 to index
      %get3A_465 = arith.index_cast %mul3A_459 : i32 to index
      %get3A_466 = tpu.vector_load %arg9[%get3A_464, %get3A_465] {strides = array<i32>} : memref<6x1024xf32, #tpu.memory_space<vmem>>, vector<16xf32>,
      %add3A_467 = arith.addf %get3A_463, %get3A_466 : vector<16xf32>
      %swap3A_468 = arith.constant 0 : i32
      %swap3A_469 = arith.index_cast %swap3A_468 : i32 to index
      %swap3A_470 = arith.index_cast %mul3A_459 : i32 to index
      %swap3A_471 = tpu.vector_load %arg11[%swap3A_469, %swap3A_470] {strides = array<i32>} : memref<1x1024xf32, #tpu.memory_space<vmem>>, vector<16xf32>,
      tpu.vector_store %arg11[%swap3A_469, %swap3A_470], %add3A_467 {strides = array<i32>} : memref<1x1024xf32, #tpu.memory_space<vmem>>, vector<16xf32>,
      %scan3A_472 = arith.constant 0 : i32
      %scan3A_473 = arith.constant 3 : i32
      %scan3A_474 = arith.addi %scan3A_423, %scan3A_473 : i32
      %mul3A_475 = arith.constant 16 : i32
      %mul3A_476 = arith.muli %scan3A_474, %mul3A_475 : i32
      %get3A_477 = arith.constant 0 : i32
      %get3A_478 = arith.index_cast %get3A_477 : i32 to index
      %get3A_479 = arith.index_cast %mul3A_476 : i32 to index
      %get3A_480 = tpu.vector_load %arg11[%get3A_478, %get3A_479] {strides = array<i32>} : memref<1x1024xf32, #tpu.memory_space<vmem>>, vector<16xf32>,
      %get3A_481 = arith.index_cast %select_n3A_303 : i32 to index
      %get3A_482 = arith.index_cast %mul3A_476 : i32 to index
      %get3A_483 = tpu.vector_load %arg9[%get3A_481, %get3A_482] {strides = array<i32>} : memref<6x1024xf32, #tpu.memory_space<vmem>>, vector<16xf32>,
      %add3A_484 = arith.addf %get3A_480, %get3A_483 : vector<16xf32>
      %swap3A_485 = arith.constant 0 : i32
      %swap3A_486 = arith.index_cast %swap3A_485 : i32 to index
      %swap3A_487 = arith.index_cast %mul3A_476 : i32 to index
      %swap3A_488 = tpu.vector_load %arg11[%swap3A_486, %swap3A_487] {strides = array<i32>} : memref<1x1024xf32, #tpu.memory_space<vmem>>, vector<16xf32>,
      tpu.vector_store %arg11[%swap3A_486, %swap3A_487], %add3A_484 {strides = array<i32>} : memref<1x1024xf32, #tpu.memory_space<vmem>>, vector<16xf32>,
      %scan3A_489 = arith.constant 0 : i32
      scf.yield %scan3A_489 : i32
    }
    %scan3A_310 = arith.constant 64 : i32
    %mul3A_311 = arith.constant 9 : i32
    %mul3A_312 = arith.muli %select_n3A_30, %mul3A_311 : i32
    %add3A_313 = arith.constant 8 : i32
    %add3A_314 = arith.addi %mul3A_312, %add3A_313 : i32
    %dma_start3A_315 = arith.constant 0 : i32
    %dma_start3A_316 = tpu.memref_slice %arg6[%add3A_314, %select_n3A, %dma_start3A_315] : memref<37x8x1024xf32, #tpu.memory_space<hbm>> -> memref<1x1x1024xf32, #tpu.memory_space<hbm>>
    %dma_start3A_317 = tpu.memref_squeeze %dma_start3A_316 : memref<1x1x1024xf32, #tpu.memory_space<hbm>> -> memref<1x1024xf32, #tpu.memory_space<hbm>>
    %dma_start3A_318 = arith.constant 0 : i32
    %dma_start3A_319 = tpu.memref_slice %arg6[%add3A_314, %select_n3A, %dma_start3A_318] : memref<37x8x1024xf32, #tpu.memory_space<hbm>> -> memref<1x1x1024xf32, #tpu.memory_space<hbm>>
    %dma_start3A_320 = tpu.memref_squeeze %dma_start3A_319 : memref<1x1x1024xf32, #tpu.memory_space<hbm>> -> memref<1x1024xf32, #tpu.memory_space<hbm>>
    tpu.enqueue_dma source(%arg11 : memref<1x1024xf32, #tpu.memory_space<vmem>>) target(%dma_start3A_320 : memref<1x1024xf32, #tpu.memory_space<hbm>>) target_semaphore(%arg19 : memref<!tpu.dma_semaphore, #tpu.memory_space<semaphore_mem>>)
    %dma_wait3A_321 = arith.constant 0 : i32
    %dma_wait3A_322 = arith.constant 0 : i32
    %dma_wait3A_323 = tpu.memref_slice %arg10[%dma_wait3A_321, %dma_wait3A_322] : memref<8x1024xf32, #tpu.memory_space<vmem>> -> memref<1x1024xf32, #tpu.memory_space<vmem>>
    %dma_wait3A_324 = arith.constant 0 : i32
    %dma_wait3A_325 = tpu.memref_slice %arg6[%add3A_154, %select_n3A, %dma_wait3A_324] : memref<37x8x1024xf32, #tpu.memory_space<hbm>> -> memref<1x1x1024xf32, #tpu.memory_space<hbm>>
    %dma_wait3A_326 = tpu.memref_squeeze %dma_wait3A_325 : memref<1x1x1024xf32, #tpu.memory_space<hbm>> -> memref<1x1024xf32, #tpu.memory_space<hbm>>
    %dma_wait3A_327 = arith.constant 0 : i32
    %dma_wait3A_328 = tpu.memref_slice %arg6[%add3A_154, %select_n3A, %dma_wait3A_327] : memref<37x8x1024xf32, #tpu.memory_space<hbm>> -> memref<1x1x1024xf32, #tpu.memory_space<hbm>>
    %dma_wait3A_329 = tpu.memref_squeeze %dma_wait3A_328 : memref<1x1x1024xf32, #tpu.memory_space<hbm>> -> memref<1x1024xf32, #tpu.memory_space<hbm>>
    %dma_wait3A_330 = arith.constant 0 : i32
    %dma_wait3A_331 = arith.constant 0 : i32
    %dma_wait3A_332 = tpu.memref_slice %arg10[%dma_wait3A_330, %dma_wait3A_331] : memref<8x1024xf32, #tpu.memory_space<vmem>> -> memref<1x1024xf32, #tpu.memory_space<vmem>>
    tpu.wait_dma2 semaphore(%arg19 : memref<!tpu.dma_semaphore, #tpu.memory_space<semaphore_mem>>) src(%dma_wait3A_332 : memref<1x1024xf32, #tpu.memory_space<vmem>>) dst(%dma_wait3A_329 : memref<1x1024xf32, #tpu.memory_space<hbm>>)
    %dma_wait3A_333 = arith.constant 1 : i32
    %dma_wait3A_334 = arith.constant 0 : i32
    %dma_wait3A_335 = tpu.memref_slice %arg10[%dma_wait3A_333, %dma_wait3A_334] : memref<8x1024xf32, #tpu.memory_space<vmem>> -> memref<1x1024xf32, #tpu.memory_space<vmem>>
    %dma_wait3A_336 = arith.constant 0 : i32
    %dma_wait3A_337 = tpu.memref_slice %arg6[%add3A_170, %select_n3A, %dma_wait3A_336] : memref<37x8x1024xf32, #tpu.memory_space<hbm>> -> memref<1x1x1024xf32, #tpu.memory_space<hbm>>
    %dma_wait3A_338 = tpu.memref_squeeze %dma_wait3A_337 : memref<1x1x1024xf32, #tpu.memory_space<hbm>> -> memref<1x1024xf32, #tpu.memory_space<hbm>>
    %dma_wait3A_339 = arith.constant 0 : i32
    %dma_wait3A_340 = tpu.memref_slice %arg6[%add3A_170, %select_n3A, %dma_wait3A_339] : memref<37x8x1024xf32, #tpu.memory_space<hbm>> -> memref<1x1x1024xf32, #tpu.memory_space<hbm>>
    %dma_wait3A_341 = tpu.memref_squeeze %dma_wait3A_340 : memref<1x1x1024xf32, #tpu.memory_space<hbm>> -> memref<1x1024xf32, #tpu.memory_space<hbm>>
    %dma_wait3A_342 = arith.constant 1 : i32
    %dma_wait3A_343 = arith.constant 0 : i32
    %dma_wait3A_344 = tpu.memref_slice %arg10[%dma_wait3A_342, %dma_wait3A_343] : memref<8x1024xf32, #tpu.memory_space<vmem>> -> memref<1x1024xf32, #tpu.memory_space<vmem>>
    tpu.wait_dma2 semaphore(%arg19 : memref<!tpu.dma_semaphore, #tpu.memory_space<semaphore_mem>>) src(%dma_wait3A_344 : memref<1x1024xf32, #tpu.memory_space<vmem>>) dst(%dma_wait3A_341 : memref<1x1024xf32, #tpu.memory_space<hbm>>)
    %dma_wait3A_345 = arith.constant 2 : i32
    %dma_wait3A_346 = arith.constant 0 : i32
    %dma_wait3A_347 = tpu.memref_slice %arg10[%dma_wait3A_345, %dma_wait3A_346] : memref<8x1024xf32, #tpu.memory_space<vmem>> -> memref<1x1024xf32, #tpu.memory_space<vmem>>
    %dma_wait3A_348 = arith.constant 0 : i32
    %dma_wait3A_349 = tpu.memref_slice %arg6[%add3A_186, %select_n3A, %dma_wait3A_348] : memref<37x8x1024xf32, #tpu.memory_space<hbm>> -> memref<1x1x1024xf32, #tpu.memory_space<hbm>>
    %dma_wait3A_350 = tpu.memref_squeeze %dma_wait3A_349 : memref<1x1x1024xf32, #tpu.memory_space<hbm>> -> memref<1x1024xf32, #tpu.memory_space<hbm>>
    %dma_wait3A_351 = arith.constant 0 : i32
    %dma_wait3A_352 = tpu.memref_slice %arg6[%add3A_186, %select_n3A, %dma_wait3A_351] : memref<37x8x1024xf32, #tpu.memory_space<hbm>> -> memref<1x1x1024xf32, #tpu.memory_space<hbm>>
    %dma_wait3A_353 = tpu.memref_squeeze %dma_wait3A_352 : memref<1x1x1024xf32, #tpu.memory_space<hbm>> -> memref<1x1024xf32, #tpu.memory_space<hbm>>
    %dma_wait3A_354 = arith.constant 2 : i32
    %dma_wait3A_355 = arith.constant 0 : i32
    %dma_wait3A_356 = tpu.memref_slice %arg10[%dma_wait3A_354, %dma_wait3A_355] : memref<8x1024xf32, #tpu.memory_space<vmem>> -> memref<1x1024xf32, #tpu.memory_space<vmem>>
    tpu.wait_dma2 semaphore(%arg19 : memref<!tpu.dma_semaphore, #tpu.memory_space<semaphore_mem>>) src(%dma_wait3A_356 : memref<1x1024xf32, #tpu.memory_space<vmem>>) dst(%dma_wait3A_353 : memref<1x1024xf32, #tpu.memory_space<hbm>>)
    %dma_wait3A_357 = arith.constant 3 : i32
    %dma_wait3A_358 = arith.constant 0 : i32
    %dma_wait3A_359 = tpu.memref_slice %arg10[%dma_wait3A_357, %dma_wait3A_358] : memref<8x1024xf32, #tpu.memory_space<vmem>> -> memref<1x1024xf32, #tpu.memory_space<vmem>>
    %dma_wait3A_360 = arith.constant 0 : i32
    %dma_wait3A_361 = tpu.memref_slice %arg6[%add3A_202, %select_n3A, %dma_wait3A_360] : memref<37x8x1024xf32, #tpu.memory_space<hbm>> -> memref<1x1x1024xf32, #tpu.memory_space<hbm>>
    %dma_wait3A_362 = tpu.memref_squeeze %dma_wait3A_361 : memref<1x1x1024xf32, #tpu.memory_space<hbm>> -> memref<1x1024xf32, #tpu.memory_space<hbm>>
    %dma_wait3A_363 = arith.constant 0 : i32
    %dma_wait3A_364 = tpu.memref_slice %arg6[%add3A_202, %select_n3A, %dma_wait3A_363] : memref<37x8x1024xf32, #tpu.memory_space<hbm>> -> memref<1x1x1024xf32, #tpu.memory_space<hbm>>
    %dma_wait3A_365 = tpu.memref_squeeze %dma_wait3A_364 : memref<1x1x1024xf32, #tpu.memory_space<hbm>> -> memref<1x1024xf32, #tpu.memory_space<hbm>>
    %dma_wait3A_366 = arith.constant 3 : i32
    %dma_wait3A_367 = arith.constant 0 : i32
    %dma_wait3A_368 = tpu.memref_slice %arg10[%dma_wait3A_366, %dma_wait3A_367] : memref<8x1024xf32, #tpu.memory_space<vmem>> -> memref<1x1024xf32, #tpu.memory_space<vmem>>
    tpu.wait_dma2 semaphore(%arg19 : memref<!tpu.dma_semaphore, #tpu.memory_space<semaphore_mem>>) src(%dma_wait3A_368 : memref<1x1024xf32, #tpu.memory_space<vmem>>) dst(%dma_wait3A_365 : memref<1x1024xf32, #tpu.memory_space<hbm>>)
    %dma_wait3A_369 = arith.constant 4 : i32
    %dma_wait3A_370 = arith.constant 0 : i32
    %dma_wait3A_371 = tpu.memref_slice %arg10[%dma_wait3A_369, %dma_wait3A_370] : memref<8x1024xf32, #tpu.memory_space<vmem>> -> memref<1x1024xf32, #tpu.memory_space<vmem>>
    %dma_wait3A_372 = arith.constant 0 : i32
    %dma_wait3A_373 = tpu.memref_slice %arg6[%add3A_218, %select_n3A, %dma_wait3A_372] : memref<37x8x1024xf32, #tpu.memory_space<hbm>> -> memref<1x1x1024xf32, #tpu.memory_space<hbm>>
    %dma_wait3A_374 = tpu.memref_squeeze %dma_wait3A_373 : memref<1x1x1024xf32, #tpu.memory_space<hbm>> -> memref<1x1024xf32, #tpu.memory_space<hbm>>
    %dma_wait3A_375 = arith.constant 0 : i32
    %dma_wait3A_376 = tpu.memref_slice %arg6[%add3A_218, %select_n3A, %dma_wait3A_375] : memref<37x8x1024xf32, #tpu.memory_space<hbm>> -> memref<1x1x1024xf32, #tpu.memory_space<hbm>>
    %dma_wait3A_377 = tpu.memref_squeeze %dma_wait3A_376 : memref<1x1x1024xf32, #tpu.memory_space<hbm>> -> memref<1x1024xf32, #tpu.memory_space<hbm>>
    %dma_wait3A_378 = arith.constant 4 : i32
    %dma_wait3A_379 = arith.constant 0 : i32
    %dma_wait3A_380 = tpu.memref_slice %arg10[%dma_wait3A_378, %dma_wait3A_379] : memref<8x1024xf32, #tpu.memory_space<vmem>> -> memref<1x1024xf32, #tpu.memory_space<vmem>>
    tpu.wait_dma2 semaphore(%arg19 : memref<!tpu.dma_semaphore, #tpu.memory_space<semaphore_mem>>) src(%dma_wait3A_380 : memref<1x1024xf32, #tpu.memory_space<vmem>>) dst(%dma_wait3A_377 : memref<1x1024xf32, #tpu.memory_space<hbm>>)
    %dma_wait3A_381 = arith.constant 5 : i32
    %dma_wait3A_382 = arith.constant 0 : i32
    %dma_wait3A_383 = tpu.memref_slice %arg10[%dma_wait3A_381, %dma_wait3A_382] : memref<8x1024xf32, #tpu.memory_space<vmem>> -> memref<1x1024xf32, #tpu.memory_space<vmem>>
    %dma_wait3A_384 = arith.constant 0 : i32
    %dma_wait3A_385 = tpu.memref_slice %arg6[%add3A_234, %select_n3A, %dma_wait3A_384] : memref<37x8x1024xf32, #tpu.memory_space<hbm>> -> memref<1x1x1024xf32, #tpu.memory_space<hbm>>
    %dma_wait3A_386 = tpu.memref_squeeze %dma_wait3A_385 : memref<1x1x1024xf32, #tpu.memory_space<hbm>> -> memref<1x1024xf32, #tpu.memory_space<hbm>>
    %dma_wait3A_387 = arith.constant 0 : i32
    %dma_wait3A_388 = tpu.memref_slice %arg6[%add3A_234, %select_n3A, %dma_wait3A_387] : memref<37x8x1024xf32, #tpu.memory_space<hbm>> -> memref<1x1x1024xf32, #tpu.memory_space<hbm>>
    %dma_wait3A_389 = tpu.memref_squeeze %dma_wait3A_388 : memref<1x1x1024xf32, #tpu.memory_space<hbm>> -> memref<1x1024xf32, #tpu.memory_space<hbm>>
    %dma_wait3A_390 = arith.constant 5 : i32
    %dma_wait3A_391 = arith.constant 0 : i32
    %dma_wait3A_392 = tpu.memref_slice %arg10[%dma_wait3A_390, %dma_wait3A_391] : memref<8x1024xf32, #tpu.memory_space<vmem>> -> memref<1x1024xf32, #tpu.memory_space<vmem>>
    tpu.wait_dma2 semaphore(%arg19 : memref<!tpu.dma_semaphore, #tpu.memory_space<semaphore_mem>>) src(%dma_wait3A_392 : memref<1x1024xf32, #tpu.memory_space<vmem>>) dst(%dma_wait3A_389 : memref<1x1024xf32, #tpu.memory_space<hbm>>)
    %dma_wait3A_393 = arith.constant 6 : i32
    %dma_wait3A_394 = arith.constant 0 : i32
    %dma_wait3A_395 = tpu.memref_slice %arg10[%dma_wait3A_393, %dma_wait3A_394] : memref<8x1024xf32, #tpu.memory_space<vmem>> -> memref<1x1024xf32, #tpu.memory_space<vmem>>
    %dma_wait3A_396 = arith.constant 0 : i32
    %dma_wait3A_397 = tpu.memref_slice %arg6[%add3A_250, %select_n3A, %dma_wait3A_396] : memref<37x8x1024xf32, #tpu.memory_space<hbm>> -> memref<1x1x1024xf32, #tpu.memory_space<hbm>>
    %dma_wait3A_398 = tpu.memref_squeeze %dma_wait3A_397 : memref<1x1x1024xf32, #tpu.memory_space<hbm>> -> memref<1x1024xf32, #tpu.memory_space<hbm>>
    %dma_wait3A_399 = arith.constant 0 : i32
    %dma_wait3A_400 = tpu.memref_slice %arg6[%add3A_250, %select_n3A, %dma_wait3A_399] : memref<37x8x1024xf32, #tpu.memory_space<hbm>> -> memref<1x1x1024xf32, #tpu.memory_space<hbm>>
    %dma_wait3A_401 = tpu.memref_squeeze %dma_wait3A_400 : memref<1x1x1024xf32, #tpu.memory_space<hbm>> -> memref<1x1024xf32, #tpu.memory_space<hbm>>
    %dma_wait3A_402 = arith.constant 6 : i32
    %dma_wait3A_403 = arith.constant 0 : i32
    %dma_wait3A_404 = tpu.memref_slice %arg10[%dma_wait3A_402, %dma_wait3A_403] : memref<8x1024xf32, #tpu.memory_space<vmem>> -> memref<1x1024xf32, #tpu.memory_space<vmem>>
    tpu.wait_dma2 semaphore(%arg19 : memref<!tpu.dma_semaphore, #tpu.memory_space<semaphore_mem>>) src(%dma_wait3A_404 : memref<1x1024xf32, #tpu.memory_space<vmem>>) dst(%dma_wait3A_401 : memref<1x1024xf32, #tpu.memory_space<hbm>>)
    %dma_wait3A_405 = arith.constant 7 : i32
    %dma_wait3A_406 = arith.constant 0 : i32
    %dma_wait3A_407 = tpu.memref_slice %arg10[%dma_wait3A_405, %dma_wait3A_406] : memref<8x1024xf32, #tpu.memory_space<vmem>> -> memref<1x1024xf32, #tpu.memory_space<vmem>>
    %dma_wait3A_408 = arith.constant 0 : i32
    %dma_wait3A_409 = tpu.memref_slice %arg6[%add3A_266, %select_n3A, %dma_wait3A_408] : memref<37x8x1024xf32, #tpu.memory_space<hbm>> -> memref<1x1x1024xf32, #tpu.memory_space<hbm>>
    %dma_wait3A_410 = tpu.memref_squeeze %dma_wait3A_409 : memref<1x1x1024xf32, #tpu.memory_space<hbm>> -> memref<1x1024xf32, #tpu.memory_space<hbm>>
    %dma_wait3A_411 = arith.constant 0 : i32
    %dma_wait3A_412 = tpu.memref_slice %arg6[%add3A_266, %select_n3A, %dma_wait3A_411] : memref<37x8x1024xf32, #tpu.memory_space<hbm>> -> memref<1x1x1024xf32, #tpu.memory_space<hbm>>
    %dma_wait3A_413 = tpu.memref_squeeze %dma_wait3A_412 : memref<1x1x1024xf32, #tpu.memory_space<hbm>> -> memref<1x1024xf32, #tpu.memory_space<hbm>>
    %dma_wait3A_414 = arith.constant 7 : i32
    %dma_wait3A_415 = arith.constant 0 : i32
    %dma_wait3A_416 = tpu.memref_slice %arg10[%dma_wait3A_414, %dma_wait3A_415] : memref<8x1024xf32, #tpu.memory_space<vmem>> -> memref<1x1024xf32, #tpu.memory_space<vmem>>
    tpu.wait_dma2 semaphore(%arg19 : memref<!tpu.dma_semaphore, #tpu.memory_space<semaphore_mem>>) src(%dma_wait3A_416 : memref<1x1024xf32, #tpu.memory_space<vmem>>) dst(%dma_wait3A_413 : memref<1x1024xf32, #tpu.memory_space<hbm>>)
    %dma_wait3A_417 = arith.constant 0 : i32
    %dma_wait3A_418 = tpu.memref_slice %arg6[%add3A_314, %select_n3A, %dma_wait3A_417] : memref<37x8x1024xf32, #tpu.memory_space<hbm>> -> memref<1x1x1024xf32, #tpu.memory_space<hbm>>
    %dma_wait3A_419 = tpu.memref_squeeze %dma_wait3A_418 : memref<1x1x1024xf32, #tpu.memory_space<hbm>> -> memref<1x1024xf32, #tpu.memory_space<hbm>>
    %dma_wait3A_420 = arith.constant 0 : i32
    %dma_wait3A_421 = tpu.memref_slice %arg6[%add3A_314, %select_n3A, %dma_wait3A_420] : memref<37x8x1024xf32, #tpu.memory_space<hbm>> -> memref<1x1x1024xf32, #tpu.memory_space<hbm>>
    %dma_wait3A_422 = tpu.memref_squeeze %dma_wait3A_421 : memref<1x1x1024xf32, #tpu.memory_space<hbm>> -> memref<1x1024xf32, #tpu.memory_space<hbm>>
    tpu.wait_dma2 semaphore(%arg19 : memref<!tpu.dma_semaphore, #tpu.memory_space<semaphore_mem>>) src(%arg11 : memref<1x1024xf32, #tpu.memory_space<vmem>>) dst(%dma_wait3A_422 : memref<1x1024xf32, #tpu.memory_space<hbm>>)
    return
  }
}

</mosaic_0001>

<sc_bundles>
// kernel: kernel.3.cloned.1.call-start
scs
__scs_entry_jumppad:
0x0: {  	(pc) =	sbr.rel $0x88, $3  }
0x1: {  	(tag) =	ssettag $0x0;
	lr =	simm.s32 $0x1  }
0x2: {  	[smem:$0x3F9D] =	sst lr;
	_ =	strace $0xD0000000  }
0x3: {  	_ = 	snop  }
0x4: {  	_ = 	snop  }
0x5: {  	_ = 	snop  }
0x6: {  	_ = 	snop  }
0x7: {  	_ = 	snop  }
__scs_overlays_trampoline_lowered:
0x8: {  	[smem:$0x3FAC] =	sst s0  }
0x9: {  	[smem:$0x3FAD] =	sst s1  }
0xa: {  	[smem:$0x3FAE] =	sst s2  }
0xb: {  	[smem:$0x3FAF] =	sst s3  }
0xc: {  	[smem:$0x3FB0] =	sst s4  }
0xd: {  	[smem:$0x3FB1] =	sst s5  }
0xe: {  	[smem:$0x3FB2] =	sst s6  }
0xf: {  	[smem:$0x3FB3] =	sst s7  }
0x10: {  	[smem:$0x3FB4] =	sst s8  }
0x11: {  	[smem:$0x3FB5] =	sst s9;
	s0 =	simm.s32 @!p0 $0x0  }
0x12: {  	s1 =	sld [smem:$0x3F9B];
	s0 =	simm.s32 @p0 $0x1  }
0x13: {  	[smem:$0x3FB6] =	sst s0;
	s0 =	simm.s32 @!p1 $0x0  }
0x14: {  	s2 =	sld [smem:$0x3F9A];
	s0 =	simm.s32 @p1 $0x1  }
0x15: {  	[smem:$0x3FB7] =	sst s0;
	s0 =	simm.s32 @!p2 $0x0  }
0x16: {  	s3 =	sld [smem:$0x3FDB];
	s0 =	simm.s32 @p2 $0x1  }
0x17: {  	s4 =	simm.s32 $0x1BF5;
	[smem:$0x3FB9] =	sst s0  }
0x18: {  	s0 =	sld [smem:$0x3F9C];
	_ =	swait.ge [sflag:s4], $0x0  }
0x19: {  	s7 =	sld [smem:$0x3F9D]  }
0x1a: {  	s8 =	sadd.s32 $0xFFFFE003, lr  }
0x1b: {  	s9 =	sadd.s32 $0xFFFFFEF7, lr;
	s5 =	simm.s32 $0xFFFFFFFF;
	p2 =	slt.u32 s8, $0xFFFFF086  }
0x1c: {  	p1 =	slt.u32 s9, $0xF7A;
	s5 =	simm.s32 @!p2 $0x0  }
0x1d: {  	s5 =	simm.s32 @p1 $0x1;
	p0 =	seq.s32 s7, s2  }
0x1e: {  	s7 =	smul.u32 @!p0 $0xF7A, s2;
	p2 =	seq.s32 @!p0 s5, $0x0  }
0x1f: {  	s9 =	smul.u32 $0xF7A, s1;
	s8 =	simm.s32 @!p0 $0x1BF5;
	p2 =	por !p2, p0  }
0x20: {  	[sflag:s8] =	ssyncset.s32 @!p0 $0xFFFFF086;
	s6 =	sadd.s32 @!p0 s3, s7;
	s7 =	simm.s32 @!p0 $0x108  }
0x21: {  	s3 =	sadd.s32 s3, s9;
	s6 =	sadd.s32 @!p0 $0x88, s6;
	s7 =	simm.s32 @p2 $0x1082  }
0x22: {  	[simem:s7], [sflag:s8] =	dma.local @!p0 [hbm:s6], $0xF7A  }
0x23: {  	s9 =	sor.u32 $0xD0000000, s2;
	s6 =	simm.s32 $0x108;
	_ =	swait.ge @!p0 [sflag:s8], $0x0  }
0x24: {  	s3 =	sadd.s32 $0x88, s3;
	s6 =	simm.s32 @!p1 $0x1082;
	[sflag:s4] =	ssyncset.s32 $0xFFFFF086  }
0x25: {  	[simem:s6], [sflag:s4] =	dma.local [hbm:s3], $0xF7A  }
0x26: {  	[smem:$0x3F9D] =	sst s1;
	(tag) =	ssettag s2;
	_ =	strace s9  }
0x27: {  	s1 =	sld [smem:$0x3FAD]  }
0x28: {  	s2 =	sld [smem:$0x3FAE]  }
0x29: {  	s4 =	sld [smem:$0x3FB0]  }
0x2a: {  	p0 =	seq.s32 s5, $0x0;
	s5 =	sld [smem:$0x3FB1]  }
0x2b: {  	s6 =	sld [smem:$0x3FB2]  }
0x2c: {  	s7 =	sld [smem:$0x3FB3]  }
0x2d: {  	s3 =	simm.s32 $0x108;
	s8 =	sld [smem:$0x3FB4]  }
0x2e: {  	s3 =	simm.s32 @!p0 $0x1082;
	s9 =	sld [smem:$0x3FB5]  }
0x2f: {  	lr =	sadd.s32 s0, s3;
	s0 =	sld [smem:$0x3FAC]  }
0x30: {  	s3 =	sld [smem:$0x3FAF]  }
0x31: {  	[smem:$0x3FB8] =	sst s10  }
0x32: {  	s10 =	sld [smem:$0x3FB6];
	_ =	sdelay $0x3  }
0x33: {  	p0 =	seq.s32 s10, $0x1;
	s10 =	sld [smem:$0x3FB8];
	_ =	sdelay $0x3  }
0x34: {  	[smem:$0x3FB8] =	sst s10  }
0x35: {  	s10 =	sld [smem:$0x3FB7];
	_ =	sdelay $0x3  }
0x36: {  	p1 =	seq.s32 s10, $0x1;
	s10 =	sld [smem:$0x3FB8];
	_ =	sdelay $0x3  }
0x37: {  	[smem:$0x3FB8] =	sst s10  }
0x38: {  	s10 =	sld [smem:$0x3FB9]  }
0x39: {  	_ = 	snop;
	(pc) =	sbr.ind lr, $3  }
0x3a: {  	_ = 	snop  }
0x3b: {  	_ = 	snop  }
0x3c: {  	p2 =	seq.s32 s10, $0x1;
	s10 =	sld [smem:$0x3FB8]  }
0x3d: {  	_ =	shalt  }
0x3e: {  	_ =	shalt  }
0x3f: {  	_ =	shalt  }
0x40: {  	_ =	shalt  }
0x41: {  	_ =	shalt  }
0x42: {  	_ =	shalt  }
0x43: {  	_ =	shalt  }
0x44: {  	_ =	shalt  }
0x45: {  	_ =	shalt  }
0x46: {  	_ =	shalt  }
0x47: {  	_ =	shalt  }
0x48: {  	_ =	shalt  }
0x49: {  	_ =	shalt  }
0x4a: {  	_ =	shalt  }
0x4b: {  	_ =	shalt  }
0x4c: {  	_ =	shalt  }
0x4d: {  	_ =	shalt  }
0x4e: {  	_ =	shalt  }
0x4f: {  	_ =	shalt  }
0x50: {  	_ =	shalt  }
0x51: {  	_ =	shalt  }
0x52: {  	_ =	shalt  }
0x53: {  	_ =	shalt  }
0x54: {  	_ =	shalt  }
0x55: {  	_ =	shalt  }
0x56: {  	_ =	shalt  }
0x57: {  	_ =	shalt  }
0x58: {  	_ =	shalt  }
0x59: {  	_ =	shalt  }
0x5a: {  	_ =	shalt  }
0x5b: {  	_ =	shalt  }
0x5c: {  	_ =	shalt  }
0x5d: {  	_ =	shalt  }
0x5e: {  	_ =	shalt  }
0x5f: {  	_ =	shalt  }
0x60: {  	_ =	shalt  }
0x61: {  	_ =	shalt  }
0x62: {  	_ =	shalt  }
0x63: {  	_ =	shalt  }
0x64: {  	_ =	shalt  }
0x65: {  	_ =	shalt  }
0x66: {  	_ =	shalt  }
0x67: {  	_ =	shalt  }
0x68: {  	_ =	shalt  }
0x69: {  	_ =	shalt  }
0x6a: {  	_ =	shalt  }
0x6b: {  	_ =	shalt  }
0x6c: {  	_ =	shalt  }
0x6d: {  	_ =	shalt  }
0x6e: {  	_ =	shalt  }
0x6f: {  	_ =	shalt  }
0x70: {  	_ =	shalt  }
0x71: {  	_ =	shalt  }
0x72: {  	_ =	shalt  }
0x73: {  	_ =	shalt  }
0x74: {  	_ =	shalt  }
0x75: {  	_ =	shalt  }
0x76: {  	_ =	shalt  }
0x77: {  	_ =	shalt  }
0x78: {  	_ =	shalt  }
0x79: {  	_ =	shalt  }
0x7a: {  	_ =	shalt  }
0x7b: {  	_ =	shalt  }
0x7c: {  	_ =	shalt  }
0x7d: {  	_ =	shalt  }
0x7e: {  	_ =	shalt  }
0x7f: {  	_ =	shalt  }
0x80: {  	_ =	shalt  }
0x81: {  	_ =	shalt  }
0x82: {  	_ =	shalt  }
0x83: {  	_ =	shalt  }
0x84: {  	_ =	shalt  }
0x85: {  	_ =	shalt  }
0x86: {  	_ =	shalt  }
0x87: {  	_ =	shalt  }
.Lfunc_end0:
.L_simem_size_0:
called_computation_lowered:
.L_overlay_start_0:
0x88: {  	s2 =	sld [smem:$0x3FD9]  }
0x89: {  	s3 =	sld [smem:$0x3FFE];
	_ =	sdelay $0x1  }
0x8a: {  	s1 =	srdreg.scid  }
0x8b: {  	s0 =	sand.u32 $0x1, s1  }
0x8c: {  	s14 =	sshll.u32 s0, $0xA;
	s2 =	sadd.s32 s3, s2  }
0x8d: {  	s2 =	sadd.s32 s2, s14  }
0x8e: {  	[smem:$0x3FC4] =	sst s2  }
0x8f: {  	_ = 	snop  }
0x90: {  	s2 =	sld [smem:$0x3FC9]  }
0x91: {  	s15 =	sld [smem:$0x3FD0]  }
0x92: {  	s4 =	sld [smem:$0x3FC8]  }
0x93: {  	s5 =	sld [smem:$0x3FC7]  }
0x94: {  	s7 =	simm.s32 $0xA;
	s8 =	simm.s32 $0x10;
	s6 =	sld [smem:$0x3FC6]  }
0x95: {  	[smem:s8], [sflag:s7] =	dma.local [hbm:s15], $0x1  }
0x96: {  	_ =	swait.eq [sflag:s7], $0x1  }
0x97: {  	[sflag:s7] =	ssyncset.done $0x0  }
0x98: {  	[sflag:s7] =	ssyncadd.s32 $0xFFFFFFFF  }
0x99: {  	s16 =	sld [smem:$0x10];
	(tm) =	ssettm $0x1  }
0x9a: {  	s17 =	sld [smem:$0x3FFB];
	_ =	sdelay $0x3  }
0x9b: {  	_ =	strace s17  }
0x9c: {  	s7 =	sld [smem:$0x3FFC];
	_ =	sdelay $0x3  }
0x9d: {  	_ =	strace s7  }
0x9e: {  	s7 =	sld [smem:$0x3FFD];
	_ =	sdelay $0x3  }
0x9f: {  	_ =	strace s7  }
0xa0: {  	_ =	strace $0x8FFFFFFF  }
0xa1: {  	s18 =	sld [smem:$0x3FDB];
	_ =	sdelay $0x1  }
0xa2: {  	s19 =	simm.s32 $_scs_section_size  }
0xa3: {  	s9 =	simm.s32 $_size__tile_overlayer_lowered;
	s10 =	simm.s32 $_tile_overlayer_lowered  }
0xa4: {  	s22 =	simm.s32 $0x1BFF;
	s21 =	sshll.u32 s10, $0x1;
	s7 =	sadd.s32 s19, s18  }
0xa5: {  	s11 =	simm.s32 $0x0;
	s20 =	sshll.u32 s9, $0x1;
	s9 =	sadd.s32 s21, s7  }
0xa6: {  	[timem:s11], [sflag:s22] =	dma.local [hbm:s9], s20  }
0xa7: {  	_ =	swait.ge [sflag:s22], s20  }
0xa8: {  	s8 =	ssub.s32 $0x0, s20;
	[sflag:s22] =	ssyncset.done $0x0  }
0xa9: {  	[sflag:s22] =	ssyncadd.s32 s8;
	_ =	sdelay $0x1  }
0xaa: {  	s23 =	simm.s32 $0x1B8B  }
0xab: {  	_ =	swait.ge [sflag:s23], $0x1  }
0xac: {  	[sflag:s23] =	ssyncset.done $0x0  }
0xad: {  	s25 =	simm.s32 $0x1B8E;
	s24 =	sld [smem:$0x3FFE];
	[sflag:s23] =	ssyncadd.s32 $0xFFFFFFFF  }
0xae: {  	s26 =	simm.s32 $execute0_lowered;
	[smem:$0x3FD2] =	sst s25  }
0xaf: {  	s9 =	sshll.u32 s26, $0x1;
	_ =	strace $0x80000046;
	[dreg:$0x1] =	wrdreg $0xFFFFFFFF  }
0xb0: {  	s28 =	simm.s32 $_size_execute0_lowered;
	s7 =	sadd.s32 s7, s9;
	[dreg:$0x0] =	wrdreg $0x0  }
0xb1: {  	s9 =	sshll.u32 s28, $0x1;
	[dreg:$0x2] =	wrdreg s7  }
0xb2: {  	[dreg:$0x3] =	wrdreg s9  }
0xb3: {  	[dreg:$0x4] =	wrdreg $0xC0  }
0xb4: {  	_ =	task [dreg:s11], $0x5FFFF  }
0xb5: {  	[dreg:$0x1] =	wrdreg $0xFFFFFFFF  }
0xb6: {  	[dreg:$0x0] =	wrdreg $0x60  }
0xb7: {  	[dreg:$0x2] =	wrdreg s2  }
0xb8: {  	[dreg:$0x3] =	wrdreg s4  }
0xb9: {  	[dreg:$0x4] =	wrdreg s5  }
0xba: {  	[dreg:$0x5] =	wrdreg s6  }
0xbb: {  	[dreg:$0x6] =	wrdreg s16  }
0xbc: {  	[dreg:$0x7] =	wrdreg s24  }
0xbd: {  	[dreg:$0x8] =	wrdreg $0x9  }
0xbe: {  	_ =	task.clear_ibuf [dreg:s11], $0x9FFFF;
	_ =	strace $0x90000046  }
0xbf: {  	s29 =	simm.s32 $0x9;
	_ =	strace $0x80000048  }
0xc0: {  	_ =	swait.ge [sflag:s29], $0x1  }
0xc1: {  	[sflag:s29] =	ssyncadd.s32 $0xFFFFFFFF  }
0xc2: {  	_ =	strace $0x90000048  }
0xc3: {  	_ =	sfence  }
0xc4: {  	s30 =	sld [smem:$0x0];
	_ =	sdelay $0x2  }
0xc5: {  	s31 =	sshll.u32 s1, $0xD;
	s1 =	sshrl.u32 s1, $0x2  }
0xc6: {  	s3 =	sand.u32 $0x4000, s31;
	s1 =	sadd.s32 s1, s30  }
0xc7: {  	s0 =	sor.u32 s3, s0;
	s1 =	sshll.u32 s1, $0x11  }
0xc8: {  	s0 =	sor.u32 s1, s0  }
0xc9: {  	s0 =	sadd.s32 $0x8F2B, s0  }
0xca: {  	[sflag:s0] =	ssyncadd.remote.s32 $0x1  }
0xcb: {  	_ =	sfence.sel $0xFFFF  }
0xcc: {  	[dreg:$0x0] =	wrdreg $0xFFFFFFFF;
	(pc) =	sbr.abs _section_cstart, $3  }
0xcd: {  	[dreg:$0x1] =	wrdreg $0xFFFFFFFF  }
0xce: {  	_ =	task.clear_ibuf [dreg:s11], $0x2FFFF;
	_ =	strace $0x9FFFFFFF  }
0xcf: {  	(tm) =	ssettm $0x7FFFFFFF  }
tec
execute0_lowered:
.L_overlay_start_1:
0x0: {  	(tag) =	ssettag $0x1  }
0x1: {  	s19 =	rddreg [dreg:$0x0]  }
0x2: {  	s0 =	rddreg [dreg:$0x1]  }
0x3: {  	s2 =	rddreg [dreg:$0x4]  }
0x4: {  	s1 =	rddreg [dreg:$0x5];
	s5 =	simm.s32 $0x0  }
0x5: {  	s6 =	stileid.u32;
	s3 =	srdreg.scid;
	s28 =	simm.s32 $0x2  }
0x6: {  	s30 =	simm.s32 $0x3200;
	s31 =	simm.s32 $0x3A00;
	[smem:$0x7FF] =	sst s5  }
0x7: {  	s4 =	sshll.u32 s6, $0x1;
	s3 =	sand.u32 $0x1, s3;
	s6 =	sshrl.u32 s6, $0x1  }
0x8: {  	s23 =	sadd.s32 $0x100, s19;
	s25 =	sadd.s32 $0x200, s19;
	_ =	strace $0x80000047  }
0x9: {  	s4 =	sand.u32 $0x2, s4;
	s7 =	ssub.s32 $0x2, s3;
	[dreg:$0x8] =	wrdreg s23  }
0xa: {  	s22 =	sshll.u32 s6, $0x4;
	s16 =	sshll.u32 s6, $0x7;
	[dreg:$0x9] =	wrdreg s25  }
0xb: {  	s25 =	sadd.s32 $0x300, s19;
	s19 =	simm.s32 $0x2200;
	s3 =	sor.u32 s3, s4  }
0xc: {  	s8 =	sshrl.u32 s7, $0x1;
	s21 =	sadd.s32 s22, s1;
	s1 =	smul.u32 $0x6, s6  }
0xd: {  	s0 =	sadd.s32 s0, s22;
	s4 =	sadd.s32 s22, s2;
	s9 =	smul.u32 $0x12000, s3  }
0xe: {  	[dreg:$0xb] =	wrdreg s25;
	s8 =	ssub.s32 s7, s8;
	s7 =	smul.u32 $0x9, s3  }
0xf: {  	v0 =	vimm.s32 $0x76543210;
	[dreg:$0x7] =	wrdreg s0;
	s21 =	sadd.s32 $0x800, s21;
	p0 =	sne.s32 s3, $0x0  }
0x10: {  	v0 =	vunpack.c.l.s4.s8 v0;
	s3 =	simm.s32 $0x3;
	s0 =	sor.u32 s16, s9;
	s17 =	sadd.s32 $0x8, s7  }
0x11: {  	s24 =	sshrl.u32 s0, $0x3;
	s26 =	sadd.s32 $0x2000, s0;
	s29 =	sadd.s32 $0x4000, s0  }
0x12: {  	v0 =	vunpack.c.0.s8.s32 v0;
	s13 =	smul.u32 $0x2B, s17;
	s14 =	sadd.s32 $0x8000, s0;
	s15 =	sadd.s32 $0xA000, s0  }
0x13: {  	v1 =	vmov s7;
	s22 =	sshll.u32 s17, $0xD;
	s23 =	sadd.s32 $0xC000, s0;
	s10 =	sadd.s32 s2, s24  }
0x14: {  	vm0 =	vcmask $0x1F00;
	v0 =	vand.u32 $0xF, v0;
	v1 =	vbroadcast v1, $0x0;
	s6 =	sshrl.u32 s26, $0x3;
	s9 =	sshrl.u32 s29, $0x3;
	s15 =	sshrl.u32 s15, $0x3  }
0x15: {  	v0 =	vnsel vm0, $0x8, v0;
	s26 =	sadd.s32 $0x9000, s4;
	s4 =	simm.s32 $0x4200;
	s11 =	sadd.s32 s2, s6  }
0x16: {  	s12 =	sadd.s32 s2, s9;
	s9 =	sadd.s32 $0x6000, s0;
	s13 =	sshrl.u32 s13, $0x8;
	v1 =	vadd.s32 v0, v1  }
0x17: {  	s15 =	sadd.s32 s2, s15;
	s0 =	sadd.s32 $0xE000, s0;
	[dreg:$0xc] =	wrdreg s26;
	v0 =	vmulhi.u32 $0xAAAAAAAB, v1  }
0x18: {  	s6 =	sshrl.u32 s9, $0x3;
	s9 =	sshrl.u32 s14, $0x3;
	s18 =	smul.u32 $0x6, s13  }
0x19: {  	vm1 =	vmmov $0xff;
	s0 =	sshrl.u32 s0, $0x3;
	s13 =	sadd.s32 s2, s6;
	s14 =	sadd.s32 s2, s9;
	v0 =	vshrl.u32 v0, $0x2  }
0x1a: {  	v5 =	vimm.s32 $0x0;
	vm2 =	vcmask @!p0 $0x1700;
	s9 =	sor.u32 s16, s22;
	s16 =	sshrl.u32 s23, $0x3;
	s23 =	smax.u32 s8, $0x1;
	v2 =	vmul.u32 $0xFFFFFFFA, v0  }
0x1b: {  	vm3 =	vcmask @!p0 $0x2F18;
	vm4 =	vcmask @!p0 $0xF00;
	vm5 =	vcmask @!p0 $0x1F10;
	s6 =	simm.s32 $0x5;
	s20 =	ssub.s32 s17, s18;
	s9 =	sshrl.u32 s9, $0x3  }
0x1c: {  	vm6 =	vcmask @!p0 $0x3720;
	vm7 =	vcmask @!p0 $0x2710;
	s16 =	sadd.s32 s2, s16;
	s17 =	sadd.s32 s2, s0;
	s18 =	simm.s32 $0x400;
	v1 =	vadd.s32 v1, v2  }
0x1d: {  	vm8 =	vmmov @!p0 $0xf;
	s24 =	sadd.s32 s2, s9;
	s29 =	sand.u32 $0xFF, s20;
	s9 =	simm.s32 $0x80;
	v2 =	vadd.s32 s1, v1;
	v1 =	vlaneseq.u32  }
0x1e: {  	vm0 =	vmmov $0xffff;
	s20 =	simm.s32 $0x2A00;
	s2 =	simm.s32 $0x1;
	[dreg:$0xa] =	wrdreg s24;
	v2 =	vshll.u32 v2, $0x9;
	v4 =	vshrl.u32 v1, $0x3  }
0x1f: {  	s22 =	sshll.u32 s29, $0x7;
	s24 =	simm.s32 $0x4;
	s1 =	simm.s32 $0x0;
	v3 =	vand.u32 $0x7, v1;
	v6 =	vmul.u32 $0x8, v1;
	v4 =	vmul.u32 $0x8, v4  }
.LBB2_1:
0x20: {  	s0 =	rddreg [dreg:$0x2];
	s8 =	simm.s32 $0x200  }
0x21: {  	[tilespmem:s8], [sflag:$0x1] =	stream.linear.gather [hbm4b:s0+s5], $0x2000, $0x38;
	[tilespmem:$0x4B00] =	vst v63  }
0x22: {  	s29 =	rddreg [dreg:$0x7]  }
0x23: {  	[tilespmem:s5], [sflag:$0x2] =	stream.strided.gather [hbm4b:s29+s9], $0x200, s18, s9, $0x38;
	[tilespmem:$0x4B00] =	vst v63  }
0x24: {  	_ =	swait.ge [sflag:s28], $0x200  }
0x25: {  	[sflag:s28] =	ssyncset.done $0x0  }
0x26: {  	s25 =	simm.s32 $0x40;
	[sflag:s28] =	ssyncadd.s32 $0xFFFFFE00  }
0x27: {  	v7 =	vld [tilespmem:s25+$0xFFFFFFC0];
	_ =	sdelay $0x1  }
0x28: {  	v8 =	vld [tilespmem:s25+$0xFFFFFFD0];
	_ =	sdelay $0x1  }
0x29: {  	s0 =	simm.s32 $0x0;
	v9 =	vld [tilespmem:s25+$0xFFFFFFE0]  }
0x2a: {  	vm9 =	veq.s32 v7, $0x0;
	v7 =	vor.u32 s0, v1  }
0x2b: {  	v10 =	vimm.s32 $0x200;
	s9 =	simm.s32 $0x10;
	v11 =	vld [tilespmem:s25+$0xFFFFFFF0];
	v7 =	vsel vm9, $0x200, v7  }
0x2c: {  	vm10 =	veq.s32 v8, $0x0;
	v8 =	vor.u32 s9, v1;
	vm9 =	vlt.s32 v10, v7  }
0x2d: {  	s18 =	simm.s32 $0x20;
	v8 =	vsel vm10, $0x200, v8;
	v7 =	vsel vm9, v10, v7;
	v10 =	vld [tilespmem:s25+$0x0]  }
0x2e: {  	vm10 =	veq.s32 v9, $0x0;
	v9 =	vor.u32 s18, v1;
	vm9 =	vlt.s32 v7, v8  }
0x2f: {  	s26 =	simm.s32 $0x30;
	v12 =	vld [tilespmem:s25+$0x10];
	v7 =	vsel vm9, v7, v8;
	v8 =	vsel vm10, $0x200, v9  }
0x30: {  	vm10 =	veq.s32 v11, $0x0;
	v9 =	vor.u32 s26, v1;
	vm9 =	vlt.s32 v7, v8  }
0x31: {  	s29 =	simm.s32 $0x40;
	v9 =	vsel vm10, $0x200, v9;
	v8 =	vsel vm9, v7, v8;
	v7 =	vld [tilespmem:s25+$0x20]  }
0x32: {  	vm9 =	vlt.s32 v8, v9;
	vm10 =	veq.s32 v10, $0x0;
	v10 =	vor.u32 s29, v1  }
0x33: {  	s26 =	simm.s32 $0x50;
	v9 =	vsel vm9, v8, v9;
	v10 =	vsel vm10, $0x200, v10;
	v8 =	vld [tilespmem:s25+$0x30]  }
0x34: {  	s8 =	simm.s32 $0x70;
	s9 =	simm.s32 $0x0;
	v11 =	vor.u32 s26, v1;
	vm10 =	veq.s32 v12, $0x0;
	s25 =	simm.s32 $0xC0;
	vm9 =	vlt.s32 v9, v10  }
.LBB2_2:
0x35: {  	v12 =	vld [tilespmem:s25+$0xFFFFFFC0];
	s9 =	sadd.s32 $0x8, s9;
	v9 =	vsel vm9, v9, v10;
	v10 =	vsel vm10, $0x200, v11;
	s26 =	sadd.s32 $0xFFFFFFF0, s8  }
0x36: {  	p1 =	slt.u32 s9, $0x18;
	vm9 =	vlt.s32 v9, v10;
	vm10 =	veq.s32 v7, $0x0;
	v7 =	vor.u32 s26, v1  }
0x37: {  	v11 =	vld [tilespmem:s25+$0xFFFFFFD0];
	v9 =	vsel vm9, v9, v10;
	v7 =	vsel vm10, $0x200, v7  }
0x38: {  	vm9 =	vlt.s32 v9, v7;
	vm10 =	veq.s32 v8, $0x0;
	v8 =	vor.u32 s8, v1;
	s8 =	sadd.s32 $0x80, s8  }
0x39: {  	s26 =	sadd.s32 $0xFFFFFF90, s8;
	v10 =	vld [tilespmem:s25+$0xFFFFFFE0];
	v7 =	vsel vm9, v9, v7;
	v8 =	vsel vm10, $0x200, v8  }
0x3a: {  	vm9 =	veq.s32 v12, $0x0;
	v9 =	vor.u32 s26, v1;
	vm10 =	vlt.s32 v7, v8  }
0x3b: {  	s26 =	sadd.s32 $0xFFFFFFA0, s8;
	v9 =	vsel vm9, $0x200, v9;
	v12 =	vld [tilespmem:s25+$0xFFFFFFF0];
	v7 =	vsel vm10, v7, v8  }
0x3c: {  	v8 =	vor.u32 s26, v1;
	vm9 =	vlt.s32 v7, v9;
	vm10 =	veq.s32 v11, $0x0  }
0x3d: {  	s26 =	sadd.s32 $0xFFFFFFB0, s8;
	v7 =	vsel vm9, v7, v9;
	v8 =	vsel vm10, $0x200, v8;
	v9 =	vld [tilespmem:s25+$0x0]  }
0x3e: {  	vm9 =	vlt.s32 v7, v8;
	vm10 =	veq.s32 v10, $0x0;
	v10 =	vor.u32 s26, v1  }
0x3f: {  	s26 =	sadd.s32 $0xFFFFFFC0, s8;
	v7 =	vsel vm9, v7, v8;
	v8 =	vsel vm10, $0x200, v10;
	v11 =	vld [tilespmem:s25+$0x10]  }
.Ltmp0:
0x40: {  	v10 =	vor.u32 s26, v1;
	vm9 =	vlt.s32 v7, v8;
	vm10 =	veq.s32 v12, $0x0;
	(pc) =	sbr.rel @p1 .LBB2_2-.Ltmp0, $4  }
0x41: {  	s26 =	sadd.s32 $0xFFFFFFD0, s8;
	v8 =	vsel vm9, v7, v8;
	v10 =	vsel vm10, $0x200, v10;
	v7 =	vld [tilespmem:s25+$0x20]  }
0x42: {  	v12 =	vor.u32 s26, v1;
	vm9 =	vlt.s32 v8, v10;
	vm10 =	veq.s32 v9, $0x0  }
0x43: {  	s26 =	sadd.s32 $0xFFFFFFE0, s8;
	v9 =	vsel vm9, v8, v10;
	v10 =	vsel vm10, $0x200, v12;
	v8 =	vld [tilespmem:s25+$0x30]  }
0x44: {  	s25 =	sadd.s32 $0x80, s25;
	vm9 =	vlt.s32 v9, v10;
	vm10 =	veq.s32 v11, $0x0;
	v11 =	vor.u32 s26, v1  }
0x45: {  	v9 =	vsel vm9, v9, v10;
	v63 =	vsel vm10, $0x200, v11;
	s9 =	sadd.s32 $0xFFFFFFF0, s8  }
0x46: {  	vm9 =	vlt.s32 v9, v63;
	vm10 =	veq.s32 v7, $0x0;
	v7 =	vor.u32 s9, v1  }
0x47: {  	v9 =	vsel vm9, v9, v63;
	v7 =	vsel vm10, $0x200, v7  }
0x48: {  	vm9 =	vlt.s32 v9, v7;
	vm10 =	veq.s32 v8, $0x0;
	v8 =	vor.u32 s8, v1  }
0x49: {  	v7 =	vsel vm9, v9, v7;
	v8 =	vsel vm10, $0x200, v8  }
0x4a: {  	vm9 =	vlt.s32 v7, v8  }
0x4b: {  	v7 =	vsel vm9, v7, v8  }
0x4c: {  	v7 =	vxor.u32 $0x80000000, v7  }
0x4d: {  	(xrf0) =	vmin.scan.msk.u32 $0xffff, v7;
	_ =	sdelay $0x5  }
0x4e: {  	v7, _, _ =	vpop (xrf0)  }
0x4f: {  	(v2sf) =	vpush v7, $0xF;
	_ =	sdelay $0xe  }
0x50: {  	s25 =	spop (v2sf)  }
0x51: {  	s8 =	sxor.u32 $0x80000000, s25  }
0x52: {  	p1 =	sgt.s32 s8, $0x1FF  }
0x53: {  	s8 =	simm.s32 @p1 $0x0  }
0x54: {  	v7 =	vadd.s32 s8, v0  }
0x55: {  	vm9 =	vlt.s32 v7, $0x1FF  }
0x56: {  	v7 =	vnsel vm9, $0x1FF, v7  }
0x57: {  	v7 =	vadd.s32 v2, v7  }
0x58: {  	[tilespmem:$0x4600] =	vst v7  }
0x59: {  	v7 =	vld.msk [tilespmem:$0x4600], $0xff;
	_ =	sdelay $0x4  }
0x5a: {  	v8 =	vshll.u32 v7, $0x3  }
0x5b: {  	v7 =	vand.u32 $0x7, v7;
	v8 =	vand.u32 $0xFFFFFFC0, v8  }
0x5c: {  	v7 =	vor.u32 v7, v8  }
0x5d: {  	v7 =	vperm.xlane v7, v3;
	_ =	sdelay $0x1  }
0x5e: {  	v7 =	vadd.s32 v4, v7;
	_ =	sdelay $0x3  }
0x5f: {  	s0 =	rddreg [dreg:$0x0]  }
0x60: {  	[tilespmem:s19], [sflag:$0x3] =	stream.indirect_vreg.gather [hbm4b:s0+s5], $0x80, v7, vm0, $0xb8;
	[tilespmem:$0x4B00] =	vst v63  }
0x61: {  	s26 =	rddreg [dreg:$0x8]  }
0x62: {  	[tilespmem:s20], [sflag:$0x3] =	stream.indirect_vreg.gather [hbm4b:s26+s5], $0x80, v7, vm0, $0xb8;
	[tilespmem:$0x4B00] =	vst v63  }
0x63: {  	s29 =	rddreg [dreg:$0x9]  }
0x64: {  	[tilespmem:s30], [sflag:$0x3] =	stream.indirect_vreg.gather [hbm4b:s29+s5], $0x80, v7, vm0, $0xb8;
	[tilespmem:$0x4B00] =	vst v63  }
0x65: {  	s18 =	rddreg [dreg:$0xb]  }
0x66: {  	[tilespmem:s31], [sflag:$0x3] =	stream.indirect_vreg.gather [hbm4b:s18+s5], $0x80, v7, vm0, $0xb8;
	[tilespmem:$0x4B00] =	vst v63  }
0x67: {  	v7 =	vld.msk [tilespmem:$0x4608], $0x1;
	_ =	sdelay $0x4  }
0x68: {  	v8 =	vshll.u32 v7, $0x3  }
0x69: {  	v7 =	vand.u32 $0x7, v7;
	v8 =	vand.u32 $0xFFFFFFC0, v8  }
0x6a: {  	v7 =	vor.u32 v7, v8  }
0x6b: {  	v7 =	vperm.xlane v7, v5;
	_ =	sdelay $0x1  }
0x6c: {  	v7 =	vadd.s32 v6, v7;
	_ =	sdelay $0x3  }
0x6d: {  	s9 =	simm.s32 @!p0 $0x0  }
0x6e: {  	[tilespmem:s4], [sflag:$0x4] =	stream.indirect_vreg.gather [hbm4b:s0+s5], $0x80, v7, vm1, $0xb8;
	v7 =	vimm.s32 @!p0 $0x2;
	[tilespmem:$0x4B00] =	vst v63  }
0x6f: {  	s25 =	simm.s32 @!p0 $0x4680;
	v8 =	vmov s8;
	s8 =	simm.s32 @!p0 $0x6;
	s0 =	rddreg [dreg:$0x3];
	v7 =	vsel @!p0 vm2, $0x0, v7  }
0x70: {  	[tilespmem:s25], [sflag:$0x6] =	stream.linear.gather @!p0 [hbm4b:s0+s9], $0x400, $0x38;
	v7 =	vsel @!p0 vm3, $0x1, v7;
	[tilespmem:$0x4B00] =	vst v63  }
0x71: {  	_ =	swait.ge @!p0 [sflag:s8], $0x400;
	v7 =	vadd.s32 @!p0 v7, v8  }
0x72: {  	s26 =	simm.s32 @!p0 $0x80;
	[sflag:s8] =	ssyncset.done @!p0 $0x0;
	vm9 =	vlt.s32 @!p0 v7, $0x1FF  }
0x73: {  	v9 =	vimm.s32 @!p0 $0x3030202;
	s29 =	simm.s32 @!p0 $0x400;
	s0 =	rddreg [dreg:$0xc];
	[sflag:s8] =	ssyncadd.s32 @!p0 $0xFFFFFC00;
	v7 =	vnsel @!p0 vm9, $0x1FF, v7  }
0x74: {  	v9 =	vunpack.c.0.s8.s32 @!p0 v9;
	[hbm4b:s0+s26] =	stream.strided.scatter @!p0 [tilespmem:s25], [sflag:$0x6], $0x400, s29, s26, $0x38;
	[tilespmem:$0x4B00] =	vst v63  }
0x75: {  	_ =	swait.ge @!p0 [sflag:s8], $0x400  }
0x76: {  	v9 =	vnsel @!p0 vm4, $0x5, v9;
	[sflag:s8] =	ssyncset.done @!p0 $0x0  }
0x77: {  	v9 =	vsel @!p0 vm5, $0x3, v9;
	[sflag:s8] =	ssyncadd.s32 @!p0 $0xFFFFFC00  }
0x78: {  	v9 =	vsel @!p0 vm6, $0x4, v9;
	v7 =	vld.idx.msk @!p0 [tilespmem:v7+s9+$0x0], $0xffff  }
0x79: {  	v9 =	vadd.s32 @!p0 v9, v8  }
0x7a: {  	vm9 =	vlt.s32 @!p0 v9, $0x1FF  }
0x7b: {  	v9 =	vnsel @!p0 vm9, $0x1FF, v9;
	_ =	sdelay $0x1  }
0x7c: {  	vm9 =	veq.s32 @!p0 v7, $0x0;
	v7 =	vimm.s32 @!p0 $0x0  }
0x7d: {  	v11 =	vimm.s32 @!p0 $0x7;
	v10 =	vsel @!p0 vm9, $0x1, v7  }
0x7e: {  	[tilespmem:$0x4A80] =	vst @!p0 v10;
	v10 =	vsel @!p0 vm4, $0x5, v11  }
0x7f: {  	v9 =	vld.idx.msk @!p0 [tilespmem:v9+s9+$0x0], $0xffff;
	v10 =	vsel @!p0 vm7, $0x6, v10  }
0x80: {  	v8 =	vadd.s32 @!p0 v10, v8  }
0x81: {  	vm9 =	vlt.s32 @!p0 v8, $0x1FF  }
0x82: {  	v8 =	vnsel @!p0 vm9, $0x1FF, v8;
	_ =	sdelay $0x1  }
0x83: {  	vm9 =	veq.s32 @!p0 v9, $0x0  }
0x84: {  	v9 =	vsel @!p0 vm9, $0x1, v7  }
0x85: {  	[tilespmem:$0x4A90] =	vst @!p0 v9  }
0x86: {  	v8 =	vld.idx.msk @!p0 [tilespmem:v8+s9+$0x0], $0xffff;
	_ =	sdelay $0x4  }
0x87: {  	vm9 =	veq.s32 @!p0 v8, $0x0  }
0x88: {  	vm9 =	vmand @!p0 vm9, vm8  }
0x89: {  	v7 =	vsel @!p0 vm9, $0x1, v7  }
0x8a: {  	s25 =	simm.s32 @!p0 $0x4A80;
	[tilespmem:$0x4AA0] =	vst @!p0 v7  }
0x8b: {  	[hbm4b:s21+s9] =	stream.linear.scatter @!p0 [tilespmem:s25], [sflag:$0x6], $0x80, $0x38;
	[tilespmem:$0x4B00] =	vst v63  }
0x8c: {  	_ =	swait.ge @!p0 [sflag:s8], $0x80  }
0x8d: {  	[sflag:s8] =	ssyncset.done @!p0 $0x0  }
0x8e: {  	s25 =	sadd.s32 $0x0, s7;
	[sflag:s8] =	ssyncadd.s32 @!p0 $0xFFFFFF80  }
0x8f: {  	s26 =	smulhi.u32 $0x2AAAAAAB, s25;
	_ =	swait.ge [sflag:s2], $0x2000  }
0x90: {  	[sflag:s2] =	ssyncset.done $0x0  }
0x91: {  	s0 =	simm.s32 $0x0;
	s29 =	smul.u32 $0x6, s26;
	[sflag:s2] =	ssyncadd.s32 $0xFFFFE000  }
0x92: {  	s8 =	simm.s32 $0x0;
	s26 =	sand.u32 $0x3FFFFF80, s0;
	_ =	swait.ge [sflag:s3], $0x2000  }
0x93: {  	s18 =	sand.u32 $0x1C00, s8;
	s25 =	ssub.s32 s25, s29;
	[sflag:s3] =	ssyncset.done $0x0  }
0x94: {  	s9 =	sadd.s32 s18, s26;
	s25 =	sshll.u32 s25, $0x7;
	[sflag:s3] =	ssyncadd.s32 $0xFFFFE000  }
0x95: {  	s25 =	sor.u32 s18, s25;
	v7 =	vld [tilespmem:s9+$0x2200]  }
0x96: {  	v8 =	vld [tilespmem:s25+$0x200];
	_ =	sdelay $0x4  }
0x97: {  	v7 =	vadd.f32 v8, v7;
	_ =	sdelay $0x1  }
0x98: {  	[tilespmem:s9+$0x2200] =	vst v7;
	v7 =	vld [tilespmem:s9+$0x2210]  }
0x99: {  	v8 =	vld [tilespmem:s25+$0x210];
	_ =	sdelay $0x4  }
0x9a: {  	v7 =	vadd.f32 v8, v7;
	_ =	sdelay $0x1  }
0x9b: {  	[tilespmem:s9+$0x2210] =	vst v7;
	v7 =	vld [tilespmem:s9+$0x2220]  }
0x9c: {  	v8 =	vld [tilespmem:s25+$0x220];
	_ =	sdelay $0x4  }
0x9d: {  	v7 =	vadd.f32 v8, v7;
	_ =	sdelay $0x1  }
0x9e: {  	[tilespmem:s9+$0x2220] =	vst v7;
	v7 =	vld [tilespmem:s9+$0x2230]  }
0x9f: {  	v8 =	vld [tilespmem:s25+$0x230];
	_ =	sdelay $0x4  }
0xa0: {  	v7 =	vadd.f32 v8, v7;
	_ =	sdelay $0x1  }
0xa1: {  	[tilespmem:s9+$0x2230] =	vst v7;
	v7 =	vld [tilespmem:s9+$0x2240]  }
0xa2: {  	v8 =	vld [tilespmem:s25+$0x240];
	_ =	sdelay $0x4  }
0xa3: {  	v7 =	vadd.f32 v8, v7;
	_ =	sdelay $0x1  }
0xa4: {  	[tilespmem:s9+$0x2240] =	vst v7;
	v7 =	vld [tilespmem:s9+$0x2250]  }
0xa5: {  	v8 =	vld [tilespmem:s25+$0x250];
	_ =	sdelay $0x4  }
0xa6: {  	v7 =	vadd.f32 v8, v7;
	_ =	sdelay $0x1  }
0xa7: {  	[tilespmem:s9+$0x2250] =	vst v7;
	v7 =	vld [tilespmem:s9+$0x2260]  }
0xa8: {  	v8 =	vld [tilespmem:s25+$0x260];
	_ =	sdelay $0x4  }
0xa9: {  	s26 =	simm.s32 $0x0;
	v7 =	vadd.f32 v8, v7  }
.LBB2_4:
0xaa: {  	s26 =	sadd.s32 $0x8, s26  }
0xab: {  	s29 =	sshrl.u32 s26, $0x6;
	p1 =	slt.u32 s26, $0x1F8;
	[tilespmem:s9+$0x2260] =	vst v7;
	v7 =	vld [tilespmem:s9+$0x2270]  }
0xac: {  	s29 =	sadd.s32 s7, s29;
	v8 =	vld [tilespmem:s25+$0x270]  }
0xad: {  	s25 =	smulhi.u32 $0x2AAAAAAB, s29;
	_ =	sdelay $0x1  }
0xae: {  	s25 =	smul.u32 $0x6, s25  }
0xaf: {  	s8 =	sadd.s32 $0x400, s8;
	s18 =	sshll.u32 s26, $0x1  }
0xb0: {  	s18 =	sand.u32 $0x3FFFFF80, s18;
	s25 =	ssub.s32 s29, s25;
	s29 =	sand.u32 $0x1C00, s8;
	v7 =	vadd.f32 v8, v7  }
0xb1: {  	s18 =	sadd.s32 s29, s18;
	s25 =	sshll.u32 s25, $0x7  }
0xb2: {  	v8 =	vld [tilespmem:s18+$0x2200];
	s25 =	sor.u32 s29, s25;
	[tilespmem:s9+$0x2270] =	vst v7;
	s9 =	smov.u32 s18  }
0xb3: {  	v7 =	vld [tilespmem:s25+$0x200];
	_ =	sdelay $0x4  }
0xb4: {  	v7 =	vadd.f32 v7, v8;
	_ =	sdelay $0x1  }
0xb5: {  	[tilespmem:s9+$0x2200] =	vst v7;
	v7 =	vld [tilespmem:s9+$0x2210]  }
0xb6: {  	v8 =	vld [tilespmem:s25+$0x210];
	_ =	sdelay $0x4  }
0xb7: {  	v7 =	vadd.f32 v8, v7;
	_ =	sdelay $0x1  }
0xb8: {  	[tilespmem:s9+$0x2210] =	vst v7;
	v7 =	vld [tilespmem:s9+$0x2220]  }
0xb9: {  	v8 =	vld [tilespmem:s25+$0x220];
	_ =	sdelay $0x4  }
0xba: {  	v7 =	vadd.f32 v8, v7;
	_ =	sdelay $0x1  }
0xbb: {  	[tilespmem:s9+$0x2220] =	vst v7;
	v7 =	vld [tilespmem:s9+$0x2230]  }
0xbc: {  	v8 =	vld [tilespmem:s25+$0x230];
	_ =	sdelay $0x4  }
0xbd: {  	v7 =	vadd.f32 v8, v7;
	_ =	sdelay $0x1  }
0xbe: {  	[tilespmem:s9+$0x2230] =	vst v7;
	v7 =	vld [tilespmem:s9+$0x2240]  }
0xbf: {  	v8 =	vld [tilespmem:s25+$0x240];
	_ =	sdelay $0x4  }
0xc0: {  	v7 =	vadd.f32 v8, v7;
	_ =	sdelay $0x1  }
0xc1: {  	[tilespmem:s9+$0x2240] =	vst v7;
	v7 =	vld [tilespmem:s9+$0x2250]  }
0xc2: {  	v8 =	vld [tilespmem:s25+$0x250];
	_ =	sdelay $0x4  }
0xc3: {  	v7 =	vadd.f32 v8, v7;
	_ =	sdelay $0x1  }
0xc4: {  	[tilespmem:s9+$0x2250] =	vst v7;
	v7 =	vld [tilespmem:s9+$0x2260]  }
0xc5: {  	v8 =	vld [tilespmem:s25+$0x260]  }
.Ltmp1:
0xc6: {  	(pc) =	sbr.rel @p1 .LBB2_4-.Ltmp1, $2  }
0xc7: {  	_ =	sdelay $0x2  }
0xc8: {  	v7 =	vadd.f32 v8, v7  }
0xc9: {  	_ = 	snop  }
0xca: {  	[tilespmem:s9+$0x2260] =	vst v7;
	v7 =	vld [tilespmem:s9+$0x2270]  }
0xcb: {  	v8 =	vld [tilespmem:s25+$0x270];
	_ =	sdelay $0x4  }
0xcc: {  	v7 =	vadd.f32 v8, v7;
	_ =	sdelay $0x1  }
0xcd: {  	s8 =	simm.s32 $0x0;
	[tilespmem:s9+$0x2270] =	vst v7  }
0xce: {  	[hbm4b:s10+s8] =	stream.linear.scatter [tilespmem:s19], [sflag:$0x5], $0x80, $0x38;
	[tilespmem:$0x4B00] =	vst v63  }
0xcf: {  	s18 =	sadd.s32 $0x80, s10;
	s0 =	simm.s32 $0x2600  }
0xd0: {  	[hbm4b:s18+s8] =	stream.linear.scatter [tilespmem:s0], [sflag:$0x5], $0x80, $0x38;
	[tilespmem:$0x4B00] =	vst v63  }
0xd1: {  	s19 =	sadd.s32 $0x100, s10  }
0xd2: {  	[hbm4b:s19+s8] =	stream.linear.scatter [tilespmem:s20], [sflag:$0x5], $0x80, $0x38;
	[tilespmem:$0x4B00] =	vst v63  }
0xd3: {  	s26 =	simm.s32 $0x2E00;
	s25 =	sadd.s32 $0x180, s10  }
0xd4: {  	[hbm4b:s25+s8] =	stream.linear.scatter [tilespmem:s26], [sflag:$0x5], $0x80, $0x38;
	[tilespmem:$0x4B00] =	vst v63  }
0xd5: {  	s18 =	sadd.s32 $0x200, s10  }
0xd6: {  	[hbm4b:s18+s8] =	stream.linear.scatter [tilespmem:s30], [sflag:$0x5], $0x80, $0x38;
	[tilespmem:$0x4B00] =	vst v63  }
0xd7: {  	s19 =	sadd.s32 $0x280, s10;
	s20 =	simm.s32 $0x3600  }
0xd8: {  	[hbm4b:s19+s8] =	stream.linear.scatter [tilespmem:s20], [sflag:$0x5], $0x80, $0x38;
	[tilespmem:$0x4B00] =	vst v63  }
0xd9: {  	s25 =	sadd.s32 $0x300, s10  }
0xda: {  	[hbm4b:s25+s8] =	stream.linear.scatter [tilespmem:s31], [sflag:$0x5], $0x80, $0x38;
	[tilespmem:$0x4B00] =	vst v63  }
0xdb: {  	s26 =	sadd.s32 $0x380, s10;
	s30 =	simm.s32 $0x3E00  }
0xdc: {  	[hbm4b:s26+s8] =	stream.linear.scatter [tilespmem:s30], [sflag:$0x5], $0x80, $0x38;
	[tilespmem:$0x4B00] =	vst v63  }
0xdd: {  	s31 =	simm.s32 $0x2280  }
0xde: {  	[hbm4b:s11+s8] =	stream.linear.scatter [tilespmem:s31], [sflag:$0x5], $0x80, $0x38;
	[tilespmem:$0x4B00] =	vst v63  }
0xdf: {  	s0 =	sadd.s32 $0x80, s11;
	s18 =	simm.s32 $0x2680  }
0xe0: {  	[hbm4b:s0+s8] =	stream.linear.scatter [tilespmem:s18], [sflag:$0x5], $0x80, $0x38;
	[tilespmem:$0x4B00] =	vst v63  }
0xe1: {  	s19 =	sadd.s32 $0x100, s11;
	s20 =	simm.s32 $0x2A80  }
0xe2: {  	[hbm4b:s19+s8] =	stream.linear.scatter [tilespmem:s20], [sflag:$0x5], $0x80, $0x38;
	[tilespmem:$0x4B00] =	vst v63  }
0xe3: {  	s25 =	sadd.s32 $0x180, s11;
	s26 =	simm.s32 $0x2E80  }
0xe4: {  	[hbm4b:s25+s8] =	stream.linear.scatter [tilespmem:s26], [sflag:$0x5], $0x80, $0x38;
	[tilespmem:$0x4B00] =	vst v63  }
0xe5: {  	s30 =	sadd.s32 $0x200, s11;
	s31 =	simm.s32 $0x3280  }
0xe6: {  	[hbm4b:s30+s8] =	stream.linear.scatter [tilespmem:s31], [sflag:$0x5], $0x80, $0x38;
	[tilespmem:$0x4B00] =	vst v63  }
0xe7: {  	s18 =	sadd.s32 $0x280, s11;
	s19 =	simm.s32 $0x3680  }
0xe8: {  	[hbm4b:s18+s8] =	stream.linear.scatter [tilespmem:s19], [sflag:$0x5], $0x80, $0x38;
	[tilespmem:$0x4B00] =	vst v63  }
0xe9: {  	s20 =	sadd.s32 $0x300, s11;
	s25 =	simm.s32 $0x3A80  }
0xea: {  	[hbm4b:s20+s8] =	stream.linear.scatter [tilespmem:s25], [sflag:$0x5], $0x80, $0x38;
	[tilespmem:$0x4B00] =	vst v63  }
0xeb: {  	s26 =	sadd.s32 $0x380, s11;
	s30 =	simm.s32 $0x3E80  }
0xec: {  	[hbm4b:s26+s8] =	stream.linear.scatter [tilespmem:s30], [sflag:$0x5], $0x80, $0x38;
	[tilespmem:$0x4B00] =	vst v63  }
0xed: {  	s31 =	simm.s32 $0x2300  }
0xee: {  	[hbm4b:s12+s8] =	stream.linear.scatter [tilespmem:s31], [sflag:$0x5], $0x80, $0x38;
	[tilespmem:$0x4B00] =	vst v63  }
0xef: {  	s0 =	sadd.s32 $0x80, s12;
	s18 =	simm.s32 $0x2700  }
0xf0: {  	[hbm4b:s0+s8] =	stream.linear.scatter [tilespmem:s18], [sflag:$0x5], $0x80, $0x38;
	[tilespmem:$0x4B00] =	vst v63  }
0xf1: {  	s19 =	sadd.s32 $0x100, s12;
	s20 =	simm.s32 $0x2B00  }
0xf2: {  	[hbm4b:s19+s8] =	stream.linear.scatter [tilespmem:s20], [sflag:$0x5], $0x80, $0x38;
	[tilespmem:$0x4B00] =	vst v63  }
0xf3: {  	s25 =	sadd.s32 $0x180, s12;
	s26 =	simm.s32 $0x2F00  }
0xf4: {  	[hbm4b:s25+s8] =	stream.linear.scatter [tilespmem:s26], [sflag:$0x5], $0x80, $0x38;
	[tilespmem:$0x4B00] =	vst v63  }
0xf5: {  	s30 =	sadd.s32 $0x200, s12;
	s31 =	simm.s32 $0x3300  }
0xf6: {  	[hbm4b:s30+s8] =	stream.linear.scatter [tilespmem:s31], [sflag:$0x5], $0x80, $0x38;
	[tilespmem:$0x4B00] =	vst v63  }
0xf7: {  	s18 =	sadd.s32 $0x280, s12;
	s19 =	simm.s32 $0x3700  }
0xf8: {  	[hbm4b:s18+s8] =	stream.linear.scatter [tilespmem:s19], [sflag:$0x5], $0x80, $0x38;
	[tilespmem:$0x4B00] =	vst v63  }
0xf9: {  	s20 =	sadd.s32 $0x300, s12;
	s25 =	simm.s32 $0x3B00  }
0xfa: {  	[hbm4b:s20+s8] =	stream.linear.scatter [tilespmem:s25], [sflag:$0x5], $0x80, $0x38;
	[tilespmem:$0x4B00] =	vst v63  }
0xfb: {  	s26 =	sadd.s32 $0x380, s12;
	s30 =	simm.s32 $0x3F00  }
0xfc: {  	[hbm4b:s26+s8] =	stream.linear.scatter [tilespmem:s30], [sflag:$0x5], $0x80, $0x38;
	[tilespmem:$0x4B00] =	vst v63  }
0xfd: {  	s31 =	simm.s32 $0x2380  }
0xfe: {  	[hbm4b:s13+s8] =	stream.linear.scatter [tilespmem:s31], [sflag:$0x5], $0x80, $0x38;
	[tilespmem:$0x4B00] =	vst v63  }
0xff: {  	s0 =	sadd.s32 $0x80, s13;
	s18 =	simm.s32 $0x2780  }
0x100: {  	[hbm4b:s0+s8] =	stream.linear.scatter [tilespmem:s18], [sflag:$0x5], $0x80, $0x38;
	[tilespmem:$0x4B00] =	vst v63  }
0x101: {  	s19 =	sadd.s32 $0x100, s13;
	s20 =	simm.s32 $0x2B80  }
0x102: {  	[hbm4b:s19+s8] =	stream.linear.scatter [tilespmem:s20], [sflag:$0x5], $0x80, $0x38;
	[tilespmem:$0x4B00] =	vst v63  }
0x103: {  	s25 =	sadd.s32 $0x180, s13;
	s26 =	simm.s32 $0x2F80  }
0x104: {  	[hbm4b:s25+s8] =	stream.linear.scatter [tilespmem:s26], [sflag:$0x5], $0x80, $0x38;
	[tilespmem:$0x4B00] =	vst v63  }
0x105: {  	s30 =	sadd.s32 $0x200, s13;
	s31 =	simm.s32 $0x3380  }
0x106: {  	[hbm4b:s30+s8] =	stream.linear.scatter [tilespmem:s31], [sflag:$0x5], $0x80, $0x38;
	[tilespmem:$0x4B00] =	vst v63  }
0x107: {  	s18 =	sadd.s32 $0x280, s13;
	s19 =	simm.s32 $0x3780  }
0x108: {  	[hbm4b:s18+s8] =	stream.linear.scatter [tilespmem:s19], [sflag:$0x5], $0x80, $0x38;
	[tilespmem:$0x4B00] =	vst v63  }
0x109: {  	s20 =	sadd.s32 $0x300, s13;
	s25 =	simm.s32 $0x3B80  }
0x10a: {  	[hbm4b:s20+s8] =	stream.linear.scatter [tilespmem:s25], [sflag:$0x5], $0x80, $0x38;
	[tilespmem:$0x4B00] =	vst v63  }
0x10b: {  	s26 =	sadd.s32 $0x380, s13;
	s30 =	simm.s32 $0x3F80  }
0x10c: {  	[hbm4b:s26+s8] =	stream.linear.scatter [tilespmem:s30], [sflag:$0x5], $0x80, $0x38;
	[tilespmem:$0x4B00] =	vst v63  }
0x10d: {  	s31 =	simm.s32 $0x2400  }
0x10e: {  	[hbm4b:s14+s8] =	stream.linear.scatter [tilespmem:s31], [sflag:$0x5], $0x80, $0x38;
	[tilespmem:$0x4B00] =	vst v63  }
0x10f: {  	s0 =	sadd.s32 $0x80, s14;
	s18 =	simm.s32 $0x2800  }
0x110: {  	[hbm4b:s0+s8] =	stream.linear.scatter [tilespmem:s18], [sflag:$0x5], $0x80, $0x38;
	[tilespmem:$0x4B00] =	vst v63  }
0x111: {  	s19 =	sadd.s32 $0x100, s14;
	s20 =	simm.s32 $0x2C00  }
0x112: {  	[hbm4b:s19+s8] =	stream.linear.scatter [tilespmem:s20], [sflag:$0x5], $0x80, $0x38;
	[tilespmem:$0x4B00] =	vst v63  }
0x113: {  	s25 =	sadd.s32 $0x180, s14;
	s26 =	simm.s32 $0x3000  }
0x114: {  	[hbm4b:s25+s8] =	stream.linear.scatter [tilespmem:s26], [sflag:$0x5], $0x80, $0x38;
	[tilespmem:$0x4B00] =	vst v63  }
0x115: {  	s30 =	sadd.s32 $0x200, s14;
	s31 =	simm.s32 $0x3400  }
0x116: {  	[hbm4b:s30+s8] =	stream.linear.scatter [tilespmem:s31], [sflag:$0x5], $0x80, $0x38;
	[tilespmem:$0x4B00] =	vst v63  }
0x117: {  	s18 =	sadd.s32 $0x280, s14;
	s19 =	simm.s32 $0x3800  }
0x118: {  	[hbm4b:s18+s8] =	stream.linear.scatter [tilespmem:s19], [sflag:$0x5], $0x80, $0x38;
	[tilespmem:$0x4B00] =	vst v63  }
0x119: {  	s20 =	sadd.s32 $0x300, s14;
	s25 =	simm.s32 $0x3C00  }
0x11a: {  	[hbm4b:s20+s8] =	stream.linear.scatter [tilespmem:s25], [sflag:$0x5], $0x80, $0x38;
	[tilespmem:$0x4B00] =	vst v63  }
0x11b: {  	s26 =	sadd.s32 $0x380, s14;
	s30 =	simm.s32 $0x4000  }
0x11c: {  	[hbm4b:s26+s8] =	stream.linear.scatter [tilespmem:s30], [sflag:$0x5], $0x80, $0x38;
	[tilespmem:$0x4B00] =	vst v63  }
0x11d: {  	s31 =	simm.s32 $0x2480  }
0x11e: {  	[hbm4b:s15+s8] =	stream.linear.scatter [tilespmem:s31], [sflag:$0x5], $0x80, $0x38;
	[tilespmem:$0x4B00] =	vst v63  }
0x11f: {  	s0 =	sadd.s32 $0x80, s15;
	s18 =	simm.s32 $0x2880  }
0x120: {  	[hbm4b:s0+s8] =	stream.linear.scatter [tilespmem:s18], [sflag:$0x5], $0x80, $0x38;
	[tilespmem:$0x4B00] =	vst v63  }
0x121: {  	s19 =	sadd.s32 $0x100, s15;
	s20 =	simm.s32 $0x2C80  }
0x122: {  	[hbm4b:s19+s8] =	stream.linear.scatter [tilespmem:s20], [sflag:$0x5], $0x80, $0x38;
	[tilespmem:$0x4B00] =	vst v63  }
0x123: {  	s25 =	sadd.s32 $0x180, s15;
	s26 =	simm.s32 $0x3080  }
0x124: {  	[hbm4b:s25+s8] =	stream.linear.scatter [tilespmem:s26], [sflag:$0x5], $0x80, $0x38;
	[tilespmem:$0x4B00] =	vst v63  }
0x125: {  	s30 =	sadd.s32 $0x200, s15;
	s31 =	simm.s32 $0x3480  }
0x126: {  	[hbm4b:s30+s8] =	stream.linear.scatter [tilespmem:s31], [sflag:$0x5], $0x80, $0x38;
	[tilespmem:$0x4B00] =	vst v63  }
0x127: {  	s18 =	sadd.s32 $0x280, s15;
	s19 =	simm.s32 $0x3880  }
0x128: {  	[hbm4b:s18+s8] =	stream.linear.scatter [tilespmem:s19], [sflag:$0x5], $0x80, $0x38;
	[tilespmem:$0x4B00] =	vst v63  }
0x129: {  	s20 =	sadd.s32 $0x300, s15;
	s25 =	simm.s32 $0x3C80  }
0x12a: {  	[hbm4b:s20+s8] =	stream.linear.scatter [tilespmem:s25], [sflag:$0x5], $0x80, $0x38;
	[tilespmem:$0x4B00] =	vst v63  }
0x12b: {  	s26 =	sadd.s32 $0x380, s15;
	s30 =	simm.s32 $0x4080  }
0x12c: {  	[hbm4b:s26+s8] =	stream.linear.scatter [tilespmem:s30], [sflag:$0x5], $0x80, $0x38;
	[tilespmem:$0x4B00] =	vst v63  }
0x12d: {  	s31 =	simm.s32 $0x2500  }
0x12e: {  	[hbm4b:s16+s8] =	stream.linear.scatter [tilespmem:s31], [sflag:$0x5], $0x80, $0x38;
	[tilespmem:$0x4B00] =	vst v63  }
0x12f: {  	s0 =	sadd.s32 $0x80, s16;
	s18 =	simm.s32 $0x2900  }
0x130: {  	[hbm4b:s0+s8] =	stream.linear.scatter [tilespmem:s18], [sflag:$0x5], $0x80, $0x38;
	[tilespmem:$0x4B00] =	vst v63  }
0x131: {  	s19 =	sadd.s32 $0x100, s16;
	s20 =	simm.s32 $0x2D00  }
0x132: {  	[hbm4b:s19+s8] =	stream.linear.scatter [tilespmem:s20], [sflag:$0x5], $0x80, $0x38;
	[tilespmem:$0x4B00] =	vst v63  }
0x133: {  	s25 =	sadd.s32 $0x180, s16;
	s26 =	simm.s32 $0x3100  }
0x134: {  	[hbm4b:s25+s8] =	stream.linear.scatter [tilespmem:s26], [sflag:$0x5], $0x80, $0x38;
	[tilespmem:$0x4B00] =	vst v63  }
0x135: {  	s30 =	sadd.s32 $0x200, s16;
	s31 =	simm.s32 $0x3500  }
0x136: {  	[hbm4b:s30+s8] =	stream.linear.scatter [tilespmem:s31], [sflag:$0x5], $0x80, $0x38;
	[tilespmem:$0x4B00] =	vst v63  }
0x137: {  	s18 =	sadd.s32 $0x280, s16;
	s19 =	simm.s32 $0x3900  }
0x138: {  	[hbm4b:s18+s8] =	stream.linear.scatter [tilespmem:s19], [sflag:$0x5], $0x80, $0x38;
	[tilespmem:$0x4B00] =	vst v63  }
0x139: {  	s20 =	sadd.s32 $0x300, s16;
	s25 =	simm.s32 $0x3D00  }
0x13a: {  	[hbm4b:s20+s8] =	stream.linear.scatter [tilespmem:s25], [sflag:$0x5], $0x80, $0x38;
	[tilespmem:$0x4B00] =	vst v63  }
0x13b: {  	s26 =	sadd.s32 $0x380, s16;
	s30 =	simm.s32 $0x4100  }
0x13c: {  	[hbm4b:s26+s8] =	stream.linear.scatter [tilespmem:s30], [sflag:$0x5], $0x80, $0x38;
	[tilespmem:$0x4B00] =	vst v63  }
0x13d: {  	s31 =	simm.s32 $0x2580  }
0x13e: {  	[hbm4b:s17+s8] =	stream.linear.scatter [tilespmem:s31], [sflag:$0x5], $0x80, $0x38;
	[tilespmem:$0x4B00] =	vst v63  }
0x13f: {  	s0 =	sadd.s32 $0x80, s17;
	s18 =	simm.s32 $0x2980  }
0x140: {  	[hbm4b:s0+s8] =	stream.linear.scatter [tilespmem:s18], [sflag:$0x5], $0x80, $0x38;
	[tilespmem:$0x4B00] =	vst v63  }
0x141: {  	s19 =	sadd.s32 $0x100, s17;
	s20 =	simm.s32 $0x2D80  }
0x142: {  	[hbm4b:s19+s8] =	stream.linear.scatter [tilespmem:s20], [sflag:$0x5], $0x80, $0x38;
	[tilespmem:$0x4B00] =	vst v63  }
0x143: {  	s25 =	sadd.s32 $0x180, s17;
	s26 =	simm.s32 $0x3180  }
0x144: {  	[hbm4b:s25+s8] =	stream.linear.scatter [tilespmem:s26], [sflag:$0x5], $0x80, $0x38;
	[tilespmem:$0x4B00] =	vst v63  }
0x145: {  	s30 =	sadd.s32 $0x200, s17;
	s31 =	simm.s32 $0x3580  }
0x146: {  	[hbm4b:s30+s8] =	stream.linear.scatter [tilespmem:s31], [sflag:$0x5], $0x80, $0x38;
	[tilespmem:$0x4B00] =	vst v63  }
0x147: {  	s0 =	sadd.s32 $0x280, s17;
	s18 =	simm.s32 $0x3980  }
0x148: {  	[hbm4b:s0+s8] =	stream.linear.scatter [tilespmem:s18], [sflag:$0x5], $0x80, $0x38;
	[tilespmem:$0x4B00] =	vst v63  }
0x149: {  	s19 =	sadd.s32 $0x300, s17;
	s20 =	simm.s32 $0x3D80  }
0x14a: {  	[hbm4b:s19+s8] =	stream.linear.scatter [tilespmem:s20], [sflag:$0x5], $0x80, $0x38;
	[tilespmem:$0x4B00] =	vst v63  }
0x14b: {  	s25 =	sadd.s32 $0x380, s17;
	s26 =	simm.s32 $0x4180  }
0x14c: {  	[hbm4b:s25+s8] =	stream.linear.scatter [tilespmem:s26], [sflag:$0x5], $0x80, $0x38;
	[tilespmem:$0x4B00] =	vst v63  }
0x14d: {  	s30 =	sand.u32 $0x1C00, s8;
	_ =	swait.ge [sflag:s24], $0x400  }
0x14e: {  	s31 =	sand.u32 $0x40, s8;
	s9 =	sadd.s32 s22, s30;
	[sflag:s24] =	ssyncset.done $0x0  }
0x14f: {  	s18 =	simm.s32 $0x4200;
	s9 =	sadd.s32 $0x200, s9;
	[sflag:s24] =	ssyncadd.s32 $0xFFFFFC00  }
0x150: {  	s26 =	sadd.s32 s31, s9;
	v7 =	vld [tilespmem:s18+$0x0]  }
0x151: {  	v8 =	vld [tilespmem:s26+$0x0];
	_ =	sdelay $0x4  }
0x152: {  	s0 =	sand.u32 $0x380, s8;
	v7 =	vadd.f32 v8, v7  }
0x153: {  	s29 =	sor.u32 $0x10, s31;
	s26 =	sadd.s32 $0x4200, s0  }
0x154: {  	s19 =	sor.u32 s29, s26;
	[tilespmem:s18+$0x0] =	vst v7  }
0x155: {  	s29 =	sadd.s32 s29, s9;
	v7 =	vld [tilespmem:s19+$0x0]  }
0x156: {  	v8 =	vld [tilespmem:s29+$0x0];
	_ =	sdelay $0x4  }
0x157: {  	v7 =	vadd.f32 v8, v7  }
0x158: {  	s29 =	sor.u32 $0x20, s31  }
0x159: {  	s20 =	sadd.s32 s29, s9;
	[tilespmem:s19+$0x0] =	vst v7  }
0x15a: {  	s30 =	sor.u32 s29, s26;
	v7 =	vld [tilespmem:s20+$0x0]  }
0x15b: {  	v8 =	vld [tilespmem:s30+$0x0];
	_ =	sdelay $0x4  }
0x15c: {  	v7 =	vadd.f32 v7, v8  }
0x15d: {  	s25 =	sor.u32 $0x30, s31  }
0x15e: {  	s29 =	sor.u32 s25, s26;
	[tilespmem:s30+$0x0] =	vst v7  }
0x15f: {  	s31 =	sadd.s32 s25, s9;
	v7 =	vld [tilespmem:s29+$0x0]  }
0x160: {  	v8 =	vld [tilespmem:s31+$0x0];
	_ =	sdelay $0x2  }
0x161: {  	s9 =	simm.s32 $0x0;
	s25 =	simm.s32 $0x4240;
	s26 =	simm.s32 $0x0  }
.LBB2_6:
0x162: {  	s9 =	sadd.s32 $0x4, s9;
	s8 =	sadd.s32 $0x200, s8;
	s26 =	sadd.s32 $0x40, s26  }
0x163: {  	s18 =	sand.u32 $0x1C00, s8;
	p1 =	slt.u32 s9, $0x3C;
	v7 =	vadd.f32 v8, v7  }
0x164: {  	s18 =	sadd.s32 s22, s18  }
0x165: {  	s30 =	sand.u32 $0x40, s26;
	s18 =	sadd.s32 $0x200, s18;
	[tilespmem:s29+$0x0] =	vst v7  }
0x166: {  	s19 =	sor.u32 $0x20, s30;
	v7 =	vld [tilespmem:s25+$0x0];
	s29 =	sadd.s32 s30, s18  }
0x167: {  	v8 =	vld [tilespmem:s29+$0x0];
	s29 =	sadd.s32 s19, s18;
	_ =	sdelay $0x4  }
0x168: {  	s31 =	sand.u32 $0x380, s26;
	v7 =	vadd.f32 v8, v7  }
0x169: {  	s20 =	sor.u32 $0x10, s30;
	s31 =	sadd.s32 $0x4200, s31  }
0x16a: {  	s0 =	sor.u32 s20, s31;
	s20 =	sadd.s32 s20, s18;
	[tilespmem:s25+$0x0] =	vst v7  }
0x16b: {  	v7 =	vld [tilespmem:s0+$0x0]  }
0x16c: {  	v8 =	vld [tilespmem:s20+$0x0];
	_ =	sdelay $0x4  }
0x16d: {  	v7 =	vadd.f32 v8, v7;
	_ =	sdelay $0x1  }
0x16e: {  	[tilespmem:s0+$0x0] =	vst v7;
	s0 =	sor.u32 s19, s31  }
0x16f: {  	v7 =	vld [tilespmem:s0+$0x0]  }
0x170: {  	v8 =	vld [tilespmem:s29+$0x0];
	_ =	sdelay $0x4  }
0x171: {  	v7 =	vadd.f32 v8, v7  }
0x172: {  	s19 =	sor.u32 $0x30, s30  }
0x173: {  	s29 =	sor.u32 s19, s31;
	[tilespmem:s0+$0x0] =	vst v7;
	s0 =	sadd.s32 s19, s18  }
.Ltmp2:
0x174: {  	v7 =	vld [tilespmem:s29+$0x0];
	(pc) =	sbr.rel @p1 .LBB2_6-.Ltmp2, $2  }
0x175: {  	v8 =	vld [tilespmem:s0+$0x0];
	_ =	sdelay $0x2  }
0x176: {  	s25 =	sadd.s32 $0x40, s25  }
0x177: {  	_ = 	snop  }
0x178: {  	v7 =	vadd.f32 v8, v7;
	_ =	sdelay $0x1  }
0x179: {  	s0 =	rddreg [dreg:$0xa];
	s9 =	simm.s32 $0x80;
	s18 =	simm.s32 $0x400;
	[tilespmem:s29+$0x0] =	vst v7  }
0x17a: {  	[hbm4b:s0+s9] =	stream.strided.scatter [tilespmem:s4], [sflag:$0x5], $0x400, s18, s9, $0x38;
	[tilespmem:$0x4B00] =	vst v63  }
0x17b: {  	_ =	swait.ge [sflag:s6], $0x400  }
0x17c: {  	[sflag:s6] =	ssyncset.done $0x0  }
0x17d: {  	[sflag:s6] =	ssyncadd.s32 $0xFFFFFC00  }
0x17e: {  	_ =	swait.ge [sflag:s6], $0x400  }
0x17f: {  	[sflag:s6] =	ssyncset.done $0x0  }
0x180: {  	[sflag:s6] =	ssyncadd.s32 $0xFFFFFC00  }
0x181: {  	_ =	swait.ge [sflag:s6], $0x400  }
0x182: {  	[sflag:s6] =	ssyncset.done $0x0  }
0x183: {  	[sflag:s6] =	ssyncadd.s32 $0xFFFFFC00  }
0x184: {  	_ =	swait.ge [sflag:s6], $0x400  }
0x185: {  	[sflag:s6] =	ssyncset.done $0x0  }
0x186: {  	[sflag:s6] =	ssyncadd.s32 $0xFFFFFC00  }
0x187: {  	_ =	swait.ge [sflag:s6], $0x400  }
0x188: {  	[sflag:s6] =	ssyncset.done $0x0  }
0x189: {  	[sflag:s6] =	ssyncadd.s32 $0xFFFFFC00  }
0x18a: {  	_ =	swait.ge [sflag:s6], $0x400  }
0x18b: {  	[sflag:s6] =	ssyncset.done $0x0  }
0x18c: {  	[sflag:s6] =	ssyncadd.s32 $0xFFFFFC00  }
0x18d: {  	_ =	swait.ge [sflag:s6], $0x400  }
0x18e: {  	[sflag:s6] =	ssyncset.done $0x0  }
0x18f: {  	s1 =	sadd.s32 $0x1, s1;
	[sflag:s6] =	ssyncadd.s32 $0xFFFFFC00  }
0x190: {  	p1 =	sne.s32 s1, s23;
	_ =	swait.ge [sflag:s6], $0x400  }
.Ltmp3:
0x191: {  	[sflag:s6] =	ssyncset.done $0x0;
	(pc) =	sbr.rel @p1 .LBB2_1-.Ltmp3, $4  }
0x192: {  	[sflag:s6] =	ssyncadd.s32 $0xFFFFFC00  }
0x193: {  	_ =	swait.ge [sflag:s6], $0x400  }
0x194: {  	s19 =	simm.s32 $0x2200;
	s20 =	simm.s32 $0x2A00;
	[sflag:s6] =	ssyncset.done $0x0  }
0x195: {  	s30 =	simm.s32 $0x3200;
	s31 =	simm.s32 $0x3A00;
	[sflag:s6] =	ssyncadd.s32 $0xFFFFFC00  }
0x196: {  	_ =	sfence.sel $0x180000  }
0x197: {  	[bflag:$0x0] =	sbarrier.arrive $0xFFFF  }
0x198: {  	_ =	strace $0x90000047  }
0x199: {  	s0 =	stileid.u32;
	[bflag:$0x2] =	sbarrier.arrive $0xFFFF  }
0x19a: {  	p0 =	sne.s32 s0, $0x0;
	s0 =	rddreg [dreg:$0x6]  }
0x19b: {  	s0 =	sadd.s32 @!p0 $0x100000, s0  }
0x19c: {  	[sflag:s0] =	ssyncadd.tile.s32 @!p0 $0x1;
	_ =	shalt  }
.Lfunc_end2:
_tile_overlayer_lowered:
.L_overlay_start_2:
0x19d: {  	(tag) =	ssettag $0x2  }
0x19e: {  	s0 =	rddreg [dreg:$0x0];
	s2 =	stileid.u32  }
0x19f: {  	s1 =	rddreg [dreg:$0x1];
	p0 =	sne.s32 s2, $0x0  }
0x1a0: {  	s3 =	rddreg [dreg:$0x2];
	[bflag:$0x3] =	sbarrier.arrive $0xFFFF;
	s2 =	simm.s32 @!p0 $0x1C06  }
0x1a1: {  	[timem:s3], [sflag:s2] =	dma.local @!p0 [hbm:s0], s1  }
0x1a2: {  	s0 =	simm.s32 @!p0 $0x6  }
0x1a3: {  	_ =	swait.ge @!p0 [sflag:s0], s1  }
0x1a4: {  	s1 =	ssub.s32 @!p0 $0x0, s1;
	[sflag:s0] =	ssyncset.done @!p0 $0x0  }
0x1a5: {  	[sflag:s0] =	ssyncadd.s32 @!p0 s1  }
0x1a6: {  	[bflag:$0x3] =	sbarrier.arrive $0xFFFF  }
0x1a7: {  	_ =	shalt  }

</sc_bundles>
